<compile_context>
chip_gen: v7x
topology: tpu7x:2x2x1
jax: 0.10.2.dev20260603
libtpu: 0.0.44.dev20260713+nightly
codegen_flags: <defaults>
</compile_context>

<pallas_src>
import functools

import jax
import jax.numpy as jnp
from jax import lax
from jax.experimental import pallas as pl
from jax.experimental.pallas import tpu as pltpu
from jax.experimental.pallas import tpu_sc as plsc

N = 10000
E = 320000
D = 128
DE = 16

DH = D // 2
NC = 2
NS = 16
L = 16

EPT = E // NS
CH = 128
NFULL = EPT // CH
REM = EPT - NFULL * CH
STG = 640
STRIDE = 624

EB = 2000
NB = 1000


def _ea_body(edge_attr_ref, wt_ref, b_ref, out_ref):
    ea = jnp.dot(edge_attr_ref[...], wt_ref[...],
                 preferred_element_type=jnp.float32) + b_ref[...]
    out_ref[0] = ea[:, :DH]
    out_ref[1] = ea[:, DH:]


def _edge_mlp(edge_attr, anet_wt, anet_b2):
    return pl.pallas_call(
        _ea_body,
        grid=(E // EB,),
        in_specs=[
            pl.BlockSpec((EB, DE), lambda i: (i, 0)),
            pl.BlockSpec((DE, D), lambda i: (0, 0)),
            pl.BlockSpec((1, D), lambda i: (0, 0)),
        ],
        out_specs=pl.BlockSpec((NC, EB, DH), lambda i: (0, i, 0)),
        out_shape=jax.ShapeDtypeStruct((NC, E, DH), jnp.float32),
    )(edge_attr, anet_wt, anet_b2)


def _sc_body(xs_hbm, src_hbm, dst_hbm, ea_hbm, out_hbm,
             x_sp, agg_sp, src_v, dst_v, ea_v, xr_v,
             srcr_v, dstr_v, ear_v, xrr_v, sem):
    c = lax.axis_index("c")
    s = lax.axis_index("s")

    def zrow(i, carry):
        for j in range(DH // L):
            ea_v[i, pl.ds(j * L, L)] = jnp.zeros((L,), jnp.float32)
        return carry
    lax.fori_loop(0, CH, zrow, 0)
    for k in range(STG // CH):
        pltpu.sync_copy(ea_v, agg_sp.at[pl.ds(s * STRIDE + k * CH, CH)])
    pltpu.sync_copy(xs_hbm.at[c, pl.ds(s * STRIDE, STG)],
                    x_sp.at[pl.ds(s * STRIDE, STG)])
    plsc.subcore_barrier()

    tile_base = s * EPT

    def do_chunk(base, src_r, dst_r, ea_r, xr_r, n):
        pltpu.sync_copy(src_hbm.at[pl.ds(base, n)], src_r)
        pltpu.sync_copy(dst_hbm.at[pl.ds(base, n)], dst_r)
        pltpu.sync_copy(ea_hbm.at[c, pl.ds(base, n)], ea_r)
        pltpu.async_copy(x_sp.at[src_r], xr_r, sem).wait()

        def edge(k, carry):
            for j in range(DH // L):
                sl = pl.ds(j * L, L)
                xr_r[k, sl] = jnp.maximum(xr_r[k, sl] + ea_r[k, sl], 0.0)
            return carry
        lax.fori_loop(0, n, edge, 0)
        pltpu.sync_copy(xr_r, agg_sp.at[dst_r], add=True)

    def chunk(i, carry):
        do_chunk(tile_base + i * CH, src_v, dst_v, ea_v, xr_v, CH)
        return carry
    lax.fori_loop(0, NFULL, chunk, 0)
    do_chunk(tile_base + NFULL * CH, srcr_v, dstr_v, ear_v, xrr_v, REM)

    plsc.subcore_barrier()
    pltpu.sync_copy(agg_sp.at[pl.ds(s * STRIDE, STG)],
                    out_hbm.at[c, pl.ds(s * STRIDE, STG)])


_sc_kernel = functools.partial(
    pl.kernel,
    out_type=jax.ShapeDtypeStruct((NC, N, DH), jnp.float32),
    mesh=plsc.VectorSubcoreMesh(
        core_axis_name="c", subcore_axis_name="s",
        num_cores=NC, num_subcores=NS),
    scratch_types=[
        pltpu.VMEM_SHARED((N, DH), jnp.float32),
        pltpu.VMEM_SHARED((N, DH), jnp.float32),
        pltpu.VMEM((CH,), jnp.int32),
        pltpu.VMEM((CH,), jnp.int32),
        pltpu.VMEM((CH, DH), jnp.float32),
        pltpu.VMEM((CH, DH), jnp.float32),
        pltpu.VMEM((REM,), jnp.int32),
        pltpu.VMEM((REM,), jnp.int32),
        pltpu.VMEM((REM, DH), jnp.float32),
        pltpu.VMEM((REM, DH), jnp.float32),
        pltpu.SemaphoreType.DMA,
    ],
    compiler_params=pltpu.CompilerParams(use_tc_tiling_on_sc=False),
)(_sc_body)


def _mlp_body(agg_ref, x_ref, wt_ref, b_ref, eps_ref, out_ref):
    h = jnp.dot(agg_ref[0], wt_ref[:DH], preferred_element_type=jnp.float32)
    h += jnp.dot(agg_ref[1], wt_ref[DH:D], preferred_element_type=jnp.float32)
    h += (1.0 + eps_ref[0]) * jnp.dot(x_ref[...], wt_ref[D:],
                                      preferred_element_type=jnp.float32)
    h += b_ref[...]
    h = jnp.where(h > 0, h, 0.2 * h)
    out_ref[...] = jnp.maximum(h, 0.0)


def _node_mlp(agg2, x, mlp_wt, mlp_b2, eps):
    return pl.pallas_call(
        _mlp_body,
        grid=(N // NB,),
        in_specs=[
            pl.BlockSpec((NC, NB, DH), lambda i: (0, i, 0)),
            pl.BlockSpec((NB, D), lambda i: (i, 0)),
            pl.BlockSpec((2 * D, D), lambda i: (0, 0)),
            pl.BlockSpec((1, D), lambda i: (0, 0)),
            pl.BlockSpec(memory_space=pltpu.SMEM),
        ],
        out_specs=pl.BlockSpec((NB, D), lambda i: (i, 0)),
        out_shape=jax.ShapeDtypeStruct((N, D), jnp.float32),
    )(agg2, x, mlp_wt, mlp_b2, eps)


def kernel(x, edge_index, edge_attr, eps, anet_w, anet_b, mlp_w, mlp_b):
    ea2 = _edge_mlp(edge_attr, anet_w.T, anet_b.reshape(1, D))
    xs = x.reshape(N, NC, DH).transpose(1, 0, 2)
    agg2 = _sc_kernel(xs, edge_index[0], edge_index[1], ea2)
    return _node_mlp(agg2, x, mlp_w.T, mlp_b.reshape(1, D), eps)

# --- scband reference (transcript-rebuilt; emitter-appended) ---
"""Pipeline reference for scband-magicmodel-12421045420438 (READ-ONLY COPY).

The authoritative reference and input builder live on the scoring server;
editing this copy changes nothing except your own understanding.
"""

import jax, jax.numpy as jnp
import numpy as np

N = 10000
E = 320000
D = 128
DE = 16


def setup_inputs(seed: int = 0) -> dict:
    key = jax.random.key(seed)
    k1, k2, k3, k4, k5 = jax.random.split(key, 5)
    x = jax.random.normal(k1, (N, D), dtype=jnp.float32)
    edge_index = jax.random.randint(k2, (2, E), 0, N, dtype=jnp.int32)
    edge_attr = jax.random.normal(k3, (E, DE), dtype=jnp.float32)
    # learned params (single MAGICConv layer)
    eps = jnp.full((1,), 1e-4, dtype=jnp.float32)  # trainable eps
    anet_w = jax.random.normal(k4, (D, DE), dtype=jnp.float32) * (1.0 / np.sqrt(DE))
    anet_b = jnp.zeros((D,), dtype=jnp.float32)
    mlp_w = jax.random.normal(k5, (D, 2 * D), dtype=jnp.float32) * (1.0 / np.sqrt(2 * D))
    mlp_b = jnp.zeros((D,), dtype=jnp.float32)
    return {
        "x": x,
        "edge_index": edge_index,
        "edge_attr": edge_attr,
        "eps": eps,
        "anet_w": anet_w,
        "anet_b": anet_b,
        "mlp_w": mlp_w,
        "mlp_b": mlp_b,
    }


def reference(x, edge_index, edge_attr, eps, anet_w, anet_b, mlp_w, mlp_b):
    src = edge_index[0]
    dst = edge_index[1]
    # anet: align edge features to node dim (Linear(DE, D))
    ea = edge_attr @ anet_w.T + anet_b
    # message: (x_j + edge_attr).relu()
    msg = jax.nn.relu(x[src] + ea)
    # aggregate: sum at destination nodes
    agg = jax.ops.segment_sum(msg, dst, num_segments=N)
    # combine with self features
    out = jnp.concatenate([agg, (1.0 + eps) * x], axis=-1)
    # GIN MLP: Linear(2D, D) + LeakyReLU(0.2)
    h = out @ mlp_w.T + mlp_b
    h = jnp.where(h > 0, h, 0.2 * h)
    # final relu of MAGICModel.forward
    return jax.nn.relu(h)

if __name__ == "__main__":
    import jax
    _d = setup_inputs()
    print(jax.jit(kernel)(*tuple(_d.values())))

</pallas_src>

<mosaic_0001>
#map = affine_map<(d0, d1) -> (0, 0, 0)>
#map1 = affine_map<(d0, d1) -> (0)>
module attributes {stable_mosaic.version = 14 : i64} {
  func.func @_sc_body(%arg0: i32, %arg1: i32, %arg2: memref<2x10000x64xf32, #tpu.memory_space<hbm>>, %arg3: memref<320000xi32, #tpu.memory_space<hbm>>, %arg4: memref<320000xi32, #tpu.memory_space<hbm>>, %arg5: memref<2x320000x64xf32, #tpu.memory_space<hbm>>, %arg6: memref<2x10000x64xf32, #tpu.memory_space<hbm>>, %arg7: memref<10000x64xf32, #tpu.memory_space<vmem_shared>>, %arg8: memref<10000x64xf32, #tpu.memory_space<vmem_shared>>, %arg9: memref<128xi32, #tpu.memory_space<vmem>>, %arg10: memref<128xi32, #tpu.memory_space<vmem>>, %arg11: memref<128x64xf32, #tpu.memory_space<vmem>>, %arg12: memref<128x64xf32, #tpu.memory_space<vmem>>, %arg13: memref<32xi32, #tpu.memory_space<vmem>>, %arg14: memref<32xi32, #tpu.memory_space<vmem>>, %arg15: memref<32x64xf32, #tpu.memory_space<vmem>>, %arg16: memref<32x64xf32, #tpu.memory_space<vmem>>, %arg17: memref<!tpu.dma_semaphore, #tpu.memory_space<semaphore_mem>>) attributes {dimension_semantics = [#tpu.dimension_semantics<core_parallel>, #tpu.dimension_semantics<subcore_parallel>], iteration_bounds = array<i64: 2, 16>, scalar_prefetch = 0 : i64, scratch_operands = 11 : i64, tpu.core_type = #tpu.core_type<sc_vector_subcore>, window_params = [{transform_indices = #map}, {transform_indices = #map1}, {transform_indices = #map1}, {transform_indices = #map}, {transform_indices = #map}]} {
    %scan3A = arith.constant 0 : i32
    %scan3A_0 = arith.constant 0 : i32
    %scan3A_1 = arith.constant 128 : i32
    %scan3A_2 = arith.addi %scan3A_0, %scan3A_1 : i32
    %scan3A_3 = arith.constant 1 : i32
    scf.for %scan3A_52 = %scan3A_0 to %scan3A_2 step %scan3A_3  : i32 {
      %broadcast_in_dim3A = arith.constant 0.000000e+00 : f32
      %broadcast_in_dim3A_53 = vector.broadcast %broadcast_in_dim3A : f32 to vector<16xf32>
      %swap3A = arith.index_cast %scan3A_52 : i32 to index
      %swap3A_54 = arith.constant 0 : index
      %swap3A_55 = tpu.vector_load %arg11[%swap3A, %swap3A_54] {strides = array<i32>} : memref<128x64xf32, #tpu.memory_space<vmem>>, vector<1x16xf32>,
      %swap3A_56 = vector.shape_cast %swap3A_55 : vector<1x16xf32> to vector<16xf32>
      %swap3A_57 = vector.shape_cast %broadcast_in_dim3A_53 : vector<16xf32> to vector<1x16xf32>
      tpu.vector_store %arg11[%swap3A, %swap3A_54], %swap3A_57 {strides = array<i32>} : memref<128x64xf32, #tpu.memory_space<vmem>>, vector<1x16xf32>,
      %broadcast_in_dim3A_58 = arith.constant 0.000000e+00 : f32
      %broadcast_in_dim3A_59 = vector.broadcast %broadcast_in_dim3A_58 : f32 to vector<16xf32>
      %swap3A_60 = arith.index_cast %scan3A_52 : i32 to index
      %swap3A_61 = arith.constant 16 : index
      %swap3A_62 = tpu.vector_load %arg11[%swap3A_60, %swap3A_61] {strides = array<i32>} : memref<128x64xf32, #tpu.memory_space<vmem>>, vector<1x16xf32>,
      %swap3A_63 = vector.shape_cast %swap3A_62 : vector<1x16xf32> to vector<16xf32>
      %swap3A_64 = vector.shape_cast %broadcast_in_dim3A_59 : vector<16xf32> to vector<1x16xf32>
      tpu.vector_store %arg11[%swap3A_60, %swap3A_61], %swap3A_64 {strides = array<i32>} : memref<128x64xf32, #tpu.memory_space<vmem>>, vector<1x16xf32>,
      %broadcast_in_dim3A_65 = arith.constant 0.000000e+00 : f32
      %broadcast_in_dim3A_66 = vector.broadcast %broadcast_in_dim3A_65 : f32 to vector<16xf32>
      %swap3A_67 = arith.index_cast %scan3A_52 : i32 to index
      %swap3A_68 = arith.constant 32 : index
      %swap3A_69 = tpu.vector_load %arg11[%swap3A_67, %swap3A_68] {strides = array<i32>} : memref<128x64xf32, #tpu.memory_space<vmem>>, vector<1x16xf32>,
      %swap3A_70 = vector.shape_cast %swap3A_69 : vector<1x16xf32> to vector<16xf32>
      %swap3A_71 = vector.shape_cast %broadcast_in_dim3A_66 : vector<16xf32> to vector<1x16xf32>
      tpu.vector_store %arg11[%swap3A_67, %swap3A_68], %swap3A_71 {strides = array<i32>} : memref<128x64xf32, #tpu.memory_space<vmem>>, vector<1x16xf32>,
      %broadcast_in_dim3A_72 = arith.constant 0.000000e+00 : f32
      %broadcast_in_dim3A_73 = vector.broadcast %broadcast_in_dim3A_72 : f32 to vector<16xf32>
      %swap3A_74 = arith.index_cast %scan3A_52 : i32 to index
      %swap3A_75 = arith.constant 48 : index
      %swap3A_76 = tpu.vector_load %arg11[%swap3A_74, %swap3A_75] {strides = array<i32>} : memref<128x64xf32, #tpu.memory_space<vmem>>, vector<1x16xf32>,
      %swap3A_77 = vector.shape_cast %swap3A_76 : vector<1x16xf32> to vector<16xf32>
      %swap3A_78 = vector.shape_cast %broadcast_in_dim3A_73 : vector<16xf32> to vector<1x16xf32>
      tpu.vector_store %arg11[%swap3A_74, %swap3A_75], %swap3A_78 {strides = array<i32>} : memref<128x64xf32, #tpu.memory_space<vmem>>, vector<1x16xf32>,
    }
    %scan3A_4 = arith.constant 128 : i32
    %mul3A = arith.constant 624 : i32
    %mul3A_5 = arith.muli %arg1, %mul3A : i32
    %add3A = arith.constant 0 : i32
    %add3A_6 = arith.addi %mul3A_5, %add3A : i32
    "tpu.region"() ({
      %run_scoped3A = tpu.sem_alloc : memref<!tpu.dma_semaphore, #tpu.memory_space<semaphore_mem>>
      %dma_start3A_52 = arith.constant 0 : i32
      %dma_start3A_53 = tpu.memref_slice %arg8[%add3A_6, %dma_start3A_52] : memref<10000x64xf32, #tpu.memory_space<vmem_shared>> -> memref<128x64xf32, #tpu.memory_space<vmem_shared>>
      %dma_start3A_54 = arith.constant 0 : i32
      %dma_start3A_55 = tpu.memref_slice %arg8[%add3A_6, %dma_start3A_54] : memref<10000x64xf32, #tpu.memory_space<vmem_shared>> -> memref<128x64xf32, #tpu.memory_space<vmem_shared>>
      tpu.enqueue_dma source(%arg11 : memref<128x64xf32, #tpu.memory_space<vmem>>) target(%dma_start3A_55 : memref<128x64xf32, #tpu.memory_space<vmem_shared>>) target_semaphore(%run_scoped3A : memref<!tpu.dma_semaphore, #tpu.memory_space<semaphore_mem>>)
      %dma_wait3A_56 = arith.constant 0 : i32
      %dma_wait3A_57 = tpu.memref_slice %arg8[%add3A_6, %dma_wait3A_56] : memref<10000x64xf32, #tpu.memory_space<vmem_shared>> -> memref<128x64xf32, #tpu.memory_space<vmem_shared>>
      %dma_wait3A_58 = arith.constant 0 : i32
      %dma_wait3A_59 = tpu.memref_slice %arg8[%add3A_6, %dma_wait3A_58] : memref<10000x64xf32, #tpu.memory_space<vmem_shared>> -> memref<128x64xf32, #tpu.memory_space<vmem_shared>>
      tpu.wait_dma2 semaphore(%run_scoped3A : memref<!tpu.dma_semaphore, #tpu.memory_space<semaphore_mem>>) src(%arg11 : memref<128x64xf32, #tpu.memory_space<vmem>>) dst(%dma_wait3A_59 : memref<128x64xf32, #tpu.memory_space<vmem_shared>>)
      tpu.yield
    }) : () -> ()
    %mul3A_7 = arith.constant 624 : i32
    %mul3A_8 = arith.muli %arg1, %mul3A_7 : i32
    %add3A_9 = arith.constant 128 : i32
    %add3A_10 = arith.addi %mul3A_8, %add3A_9 : i32
    "tpu.region"() ({
      %run_scoped3A = tpu.sem_alloc : memref<!tpu.dma_semaphore, #tpu.memory_space<semaphore_mem>>
      %dma_start3A_52 = arith.constant 0 : i32
      %dma_start3A_53 = tpu.memref_slice %arg8[%add3A_10, %dma_start3A_52] : memref<10000x64xf32, #tpu.memory_space<vmem_shared>> -> memref<128x64xf32, #tpu.memory_space<vmem_shared>>
      %dma_start3A_54 = arith.constant 0 : i32
      %dma_start3A_55 = tpu.memref_slice %arg8[%add3A_10, %dma_start3A_54] : memref<10000x64xf32, #tpu.memory_space<vmem_shared>> -> memref<128x64xf32, #tpu.memory_space<vmem_shared>>
      tpu.enqueue_dma source(%arg11 : memref<128x64xf32, #tpu.memory_space<vmem>>) target(%dma_start3A_55 : memref<128x64xf32, #tpu.memory_space<vmem_shared>>) target_semaphore(%run_scoped3A : memref<!tpu.dma_semaphore, #tpu.memory_space<semaphore_mem>>)
      %dma_wait3A_56 = arith.constant 0 : i32
      %dma_wait3A_57 = tpu.memref_slice %arg8[%add3A_10, %dma_wait3A_56] : memref<10000x64xf32, #tpu.memory_space<vmem_shared>> -> memref<128x64xf32, #tpu.memory_space<vmem_shared>>
      %dma_wait3A_58 = arith.constant 0 : i32
      %dma_wait3A_59 = tpu.memref_slice %arg8[%add3A_10, %dma_wait3A_58] : memref<10000x64xf32, #tpu.memory_space<vmem_shared>> -> memref<128x64xf32, #tpu.memory_space<vmem_shared>>
      tpu.wait_dma2 semaphore(%run_scoped3A : memref<!tpu.dma_semaphore, #tpu.memory_space<semaphore_mem>>) src(%arg11 : memref<128x64xf32, #tpu.memory_space<vmem>>) dst(%dma_wait3A_59 : memref<128x64xf32, #tpu.memory_space<vmem_shared>>)
      tpu.yield
    }) : () -> ()
    %mul3A_11 = arith.constant 624 : i32
    %mul3A_12 = arith.muli %arg1, %mul3A_11 : i32
    %add3A_13 = arith.constant 256 : i32
    %add3A_14 = arith.addi %mul3A_12, %add3A_13 : i32
    "tpu.region"() ({
      %run_scoped3A = tpu.sem_alloc : memref<!tpu.dma_semaphore, #tpu.memory_space<semaphore_mem>>
      %dma_start3A_52 = arith.constant 0 : i32
      %dma_start3A_53 = tpu.memref_slice %arg8[%add3A_14, %dma_start3A_52] : memref<10000x64xf32, #tpu.memory_space<vmem_shared>> -> memref<128x64xf32, #tpu.memory_space<vmem_shared>>
      %dma_start3A_54 = arith.constant 0 : i32
      %dma_start3A_55 = tpu.memref_slice %arg8[%add3A_14, %dma_start3A_54] : memref<10000x64xf32, #tpu.memory_space<vmem_shared>> -> memref<128x64xf32, #tpu.memory_space<vmem_shared>>
      tpu.enqueue_dma source(%arg11 : memref<128x64xf32, #tpu.memory_space<vmem>>) target(%dma_start3A_55 : memref<128x64xf32, #tpu.memory_space<vmem_shared>>) target_semaphore(%run_scoped3A : memref<!tpu.dma_semaphore, #tpu.memory_space<semaphore_mem>>)
      %dma_wait3A_56 = arith.constant 0 : i32
      %dma_wait3A_57 = tpu.memref_slice %arg8[%add3A_14, %dma_wait3A_56] : memref<10000x64xf32, #tpu.memory_space<vmem_shared>> -> memref<128x64xf32, #tpu.memory_space<vmem_shared>>
      %dma_wait3A_58 = arith.constant 0 : i32
      %dma_wait3A_59 = tpu.memref_slice %arg8[%add3A_14, %dma_wait3A_58] : memref<10000x64xf32, #tpu.memory_space<vmem_shared>> -> memref<128x64xf32, #tpu.memory_space<vmem_shared>>
      tpu.wait_dma2 semaphore(%run_scoped3A : memref<!tpu.dma_semaphore, #tpu.memory_space<semaphore_mem>>) src(%arg11 : memref<128x64xf32, #tpu.memory_space<vmem>>) dst(%dma_wait3A_59 : memref<128x64xf32, #tpu.memory_space<vmem_shared>>)
      tpu.yield
    }) : () -> ()
    %mul3A_15 = arith.constant 624 : i32
    %mul3A_16 = arith.muli %arg1, %mul3A_15 : i32
    %add3A_17 = arith.constant 384 : i32
    %add3A_18 = arith.addi %mul3A_16, %add3A_17 : i32
    "tpu.region"() ({
      %run_scoped3A = tpu.sem_alloc : memref<!tpu.dma_semaphore, #tpu.memory_space<semaphore_mem>>
      %dma_start3A_52 = arith.constant 0 : i32
      %dma_start3A_53 = tpu.memref_slice %arg8[%add3A_18, %dma_start3A_52] : memref<10000x64xf32, #tpu.memory_space<vmem_shared>> -> memref<128x64xf32, #tpu.memory_space<vmem_shared>>
      %dma_start3A_54 = arith.constant 0 : i32
      %dma_start3A_55 = tpu.memref_slice %arg8[%add3A_18, %dma_start3A_54] : memref<10000x64xf32, #tpu.memory_space<vmem_shared>> -> memref<128x64xf32, #tpu.memory_space<vmem_shared>>
      tpu.enqueue_dma source(%arg11 : memref<128x64xf32, #tpu.memory_space<vmem>>) target(%dma_start3A_55 : memref<128x64xf32, #tpu.memory_space<vmem_shared>>) target_semaphore(%run_scoped3A : memref<!tpu.dma_semaphore, #tpu.memory_space<semaphore_mem>>)
      %dma_wait3A_56 = arith.constant 0 : i32
      %dma_wait3A_57 = tpu.memref_slice %arg8[%add3A_18, %dma_wait3A_56] : memref<10000x64xf32, #tpu.memory_space<vmem_shared>> -> memref<128x64xf32, #tpu.memory_space<vmem_shared>>
      %dma_wait3A_58 = arith.constant 0 : i32
      %dma_wait3A_59 = tpu.memref_slice %arg8[%add3A_18, %dma_wait3A_58] : memref<10000x64xf32, #tpu.memory_space<vmem_shared>> -> memref<128x64xf32, #tpu.memory_space<vmem_shared>>
      tpu.wait_dma2 semaphore(%run_scoped3A : memref<!tpu.dma_semaphore, #tpu.memory_space<semaphore_mem>>) src(%arg11 : memref<128x64xf32, #tpu.memory_space<vmem>>) dst(%dma_wait3A_59 : memref<128x64xf32, #tpu.memory_space<vmem_shared>>)
      tpu.yield
    }) : () -> ()
    %mul3A_19 = arith.constant 624 : i32
    %mul3A_20 = arith.muli %arg1, %mul3A_19 : i32
    %add3A_21 = arith.constant 512 : i32
    %add3A_22 = arith.addi %mul3A_20, %add3A_21 : i32
    "tpu.region"() ({
      %run_scoped3A = tpu.sem_alloc : memref<!tpu.dma_semaphore, #tpu.memory_space<semaphore_mem>>
      %dma_start3A_52 = arith.constant 0 : i32
      %dma_start3A_53 = tpu.memref_slice %arg8[%add3A_22, %dma_start3A_52] : memref<10000x64xf32, #tpu.memory_space<vmem_shared>> -> memref<128x64xf32, #tpu.memory_space<vmem_shared>>
      %dma_start3A_54 = arith.constant 0 : i32
      %dma_start3A_55 = tpu.memref_slice %arg8[%add3A_22, %dma_start3A_54] : memref<10000x64xf32, #tpu.memory_space<vmem_shared>> -> memref<128x64xf32, #tpu.memory_space<vmem_shared>>
      tpu.enqueue_dma source(%arg11 : memref<128x64xf32, #tpu.memory_space<vmem>>) target(%dma_start3A_55 : memref<128x64xf32, #tpu.memory_space<vmem_shared>>) target_semaphore(%run_scoped3A : memref<!tpu.dma_semaphore, #tpu.memory_space<semaphore_mem>>)
      %dma_wait3A_56 = arith.constant 0 : i32
      %dma_wait3A_57 = tpu.memref_slice %arg8[%add3A_22, %dma_wait3A_56] : memref<10000x64xf32, #tpu.memory_space<vmem_shared>> -> memref<128x64xf32, #tpu.memory_space<vmem_shared>>
      %dma_wait3A_58 = arith.constant 0 : i32
      %dma_wait3A_59 = tpu.memref_slice %arg8[%add3A_22, %dma_wait3A_58] : memref<10000x64xf32, #tpu.memory_space<vmem_shared>> -> memref<128x64xf32, #tpu.memory_space<vmem_shared>>
      tpu.wait_dma2 semaphore(%run_scoped3A : memref<!tpu.dma_semaphore, #tpu.memory_space<semaphore_mem>>) src(%arg11 : memref<128x64xf32, #tpu.memory_space<vmem>>) dst(%dma_wait3A_59 : memref<128x64xf32, #tpu.memory_space<vmem_shared>>)
      tpu.yield
    }) : () -> ()
    %mul3A_23 = arith.constant 624 : i32
    %mul3A_24 = arith.muli %arg1, %mul3A_23 : i32
    %mul3A_25 = arith.constant 624 : i32
    %mul3A_26 = arith.muli %arg1, %mul3A_25 : i32
    "tpu.region"() ({
      %run_scoped3A = tpu.sem_alloc : memref<!tpu.dma_semaphore, #tpu.memory_space<semaphore_mem>>
      %dma_start3A_52 = arith.constant 0 : i32
      %dma_start3A_53 = tpu.memref_slice %arg7[%mul3A_26, %dma_start3A_52] : memref<10000x64xf32, #tpu.memory_space<vmem_shared>> -> memref<640x64xf32, #tpu.memory_space<vmem_shared>>
      %dma_start3A_54 = arith.constant 0 : i32
      %dma_start3A_55 = tpu.memref_slice %arg2[%arg0, %mul3A_24, %dma_start3A_54] : memref<2x10000x64xf32, #tpu.memory_space<hbm>> -> memref<1x640x64xf32, #tpu.memory_space<hbm>>
      %dma_start3A_56 = tpu.memref_squeeze %dma_start3A_55 : memref<1x640x64xf32, #tpu.memory_space<hbm>> -> memref<640x64xf32, #tpu.memory_space<hbm>>
      tpu.enqueue_dma source(%dma_start3A_56 : memref<640x64xf32, #tpu.memory_space<hbm>>) target(%dma_start3A_53 : memref<640x64xf32, #tpu.memory_space<vmem_shared>>) target_semaphore(%run_scoped3A : memref<!tpu.dma_semaphore, #tpu.memory_space<semaphore_mem>>)
      %dma_wait3A_57 = arith.constant 0 : i32
      %dma_wait3A_58 = tpu.memref_slice %arg7[%mul3A_26, %dma_wait3A_57] : memref<10000x64xf32, #tpu.memory_space<vmem_shared>> -> memref<640x64xf32, #tpu.memory_space<vmem_shared>>
      %dma_wait3A_59 = arith.constant 0 : i32
      %dma_wait3A_60 = tpu.memref_slice %arg2[%arg0, %mul3A_24, %dma_wait3A_59] : memref<2x10000x64xf32, #tpu.memory_space<hbm>> -> memref<1x640x64xf32, #tpu.memory_space<hbm>>
      %dma_wait3A_61 = tpu.memref_squeeze %dma_wait3A_60 : memref<1x640x64xf32, #tpu.memory_space<hbm>> -> memref<640x64xf32, #tpu.memory_space<hbm>>
      tpu.wait_dma2 semaphore(%run_scoped3A : memref<!tpu.dma_semaphore, #tpu.memory_space<semaphore_mem>>) src(%dma_wait3A_61 : memref<640x64xf32, #tpu.memory_space<hbm>>) dst(%dma_wait3A_58 : memref<640x64xf32, #tpu.memory_space<vmem_shared>>)
      tpu.yield
    }) : () -> ()
    %barrier3A = arith.constant 0 : index
    tpu.barrier barrier_id(%barrier3A)
    %mul3A_27 = arith.constant 20000 : i32
    %mul3A_28 = arith.muli %arg1, %mul3A_27 : i32
    %scan3A_29 = arith.constant 0 : i32
    %scan3A_30 = arith.constant 0 : i32
    %scan3A_31 = arith.constant 156 : i32
    %scan3A_32 = arith.addi %scan3A_30, %scan3A_31 : i32
    %scan3A_33 = arith.constant 1 : i32
    scf.for %scan3A_52 = %scan3A_30 to %scan3A_32 step %scan3A_33  : i32 {
      %mul3A_53 = arith.constant 128 : i32
      %mul3A_54 = arith.muli %scan3A_52, %mul3A_53 : i32
      %add3A_55 = arith.addi %mul3A_28, %mul3A_54 : i32
      "tpu.region"() ({
        %run_scoped3A = tpu.sem_alloc : memref<!tpu.dma_semaphore, #tpu.memory_space<semaphore_mem>>
        %dma_start3A_68 = tpu.memref_slice %arg3[%add3A_55] : memref<320000xi32, #tpu.memory_space<hbm>> -> memref<128xi32, #tpu.memory_space<hbm>>
        %dma_start3A_69 = tpu.memref_slice %arg3[%add3A_55] : memref<320000xi32, #tpu.memory_space<hbm>> -> memref<128xi32, #tpu.memory_space<hbm>>
        tpu.enqueue_dma source(%dma_start3A_69 : memref<128xi32, #tpu.memory_space<hbm>>) target(%arg9 : memref<128xi32, #tpu.memory_space<vmem>>) target_semaphore(%run_scoped3A : memref<!tpu.dma_semaphore, #tpu.memory_space<semaphore_mem>>)
        %dma_wait3A_70 = tpu.memref_slice %arg3[%add3A_55] : memref<320000xi32, #tpu.memory_space<hbm>> -> memref<128xi32, #tpu.memory_space<hbm>>
        %dma_wait3A_71 = tpu.memref_slice %arg3[%add3A_55] : memref<320000xi32, #tpu.memory_space<hbm>> -> memref<128xi32, #tpu.memory_space<hbm>>
        tpu.wait_dma2 semaphore(%run_scoped3A : memref<!tpu.dma_semaphore, #tpu.memory_space<semaphore_mem>>) src(%dma_wait3A_71 : memref<128xi32, #tpu.memory_space<hbm>>) dst(%arg9 : memref<128xi32, #tpu.memory_space<vmem>>)
        tpu.yield
      }) : () -> ()
      "tpu.region"() ({
        %run_scoped3A = tpu.sem_alloc : memref<!tpu.dma_semaphore, #tpu.memory_space<semaphore_mem>>
        %dma_start3A_68 = tpu.memref_slice %arg4[%add3A_55] : memref<320000xi32, #tpu.memory_space<hbm>> -> memref<128xi32, #tpu.memory_space<hbm>>
        %dma_start3A_69 = tpu.memref_slice %arg4[%add3A_55] : memref<320000xi32, #tpu.memory_space<hbm>> -> memref<128xi32, #tpu.memory_space<hbm>>
        tpu.enqueue_dma source(%dma_start3A_69 : memref<128xi32, #tpu.memory_space<hbm>>) target(%arg10 : memref<128xi32, #tpu.memory_space<vmem>>) target_semaphore(%run_scoped3A : memref<!tpu.dma_semaphore, #tpu.memory_space<semaphore_mem>>)
        %dma_wait3A_70 = tpu.memref_slice %arg4[%add3A_55] : memref<320000xi32, #tpu.memory_space<hbm>> -> memref<128xi32, #tpu.memory_space<hbm>>
        %dma_wait3A_71 = tpu.memref_slice %arg4[%add3A_55] : memref<320000xi32, #tpu.memory_space<hbm>> -> memref<128xi32, #tpu.memory_space<hbm>>
        tpu.wait_dma2 semaphore(%run_scoped3A : memref<!tpu.dma_semaphore, #tpu.memory_space<semaphore_mem>>) src(%dma_wait3A_71 : memref<128xi32, #tpu.memory_space<hbm>>) dst(%arg10 : memref<128xi32, #tpu.memory_space<vmem>>)
        tpu.yield
      }) : () -> ()
      "tpu.region"() ({
        %run_scoped3A = tpu.sem_alloc : memref<!tpu.dma_semaphore, #tpu.memory_space<semaphore_mem>>
        %dma_start3A_68 = arith.constant 0 : i32
        %dma_start3A_69 = tpu.memref_slice %arg5[%arg0, %add3A_55, %dma_start3A_68] : memref<2x320000x64xf32, #tpu.memory_space<hbm>> -> memref<1x128x64xf32, #tpu.memory_space<hbm>>
        %dma_start3A_70 = tpu.memref_squeeze %dma_start3A_69 : memref<1x128x64xf32, #tpu.memory_space<hbm>> -> memref<128x64xf32, #tpu.memory_space<hbm>>
        %dma_start3A_71 = arith.constant 0 : i32
        %dma_start3A_72 = tpu.memref_slice %arg5[%arg0, %add3A_55, %dma_start3A_71] : memref<2x320000x64xf32, #tpu.memory_space<hbm>> -> memref<1x128x64xf32, #tpu.memory_space<hbm>>
        %dma_start3A_73 = tpu.memref_squeeze %dma_start3A_72 : memref<1x128x64xf32, #tpu.memory_space<hbm>> -> memref<128x64xf32, #tpu.memory_space<hbm>>
        tpu.enqueue_dma source(%dma_start3A_73 : memref<128x64xf32, #tpu.memory_space<hbm>>) target(%arg11 : memref<128x64xf32, #tpu.memory_space<vmem>>) target_semaphore(%run_scoped3A : memref<!tpu.dma_semaphore, #tpu.memory_space<semaphore_mem>>)
        %dma_wait3A_74 = arith.constant 0 : i32
        %dma_wait3A_75 = tpu.memref_slice %arg5[%arg0, %add3A_55, %dma_wait3A_74] : memref<2x320000x64xf32, #tpu.memory_space<hbm>> -> memref<1x128x64xf32, #tpu.memory_space<hbm>>
        %dma_wait3A_76 = tpu.memref_squeeze %dma_wait3A_75 : memref<1x128x64xf32, #tpu.memory_space<hbm>> -> memref<128x64xf32, #tpu.memory_space<hbm>>
        %dma_wait3A_77 = arith.constant 0 : i32
        %dma_wait3A_78 = tpu.memref_slice %arg5[%arg0, %add3A_55, %dma_wait3A_77] : memref<2x320000x64xf32, #tpu.memory_space<hbm>> -> memref<1x128x64xf32, #tpu.memory_space<hbm>>
        %dma_wait3A_79 = tpu.memref_squeeze %dma_wait3A_78 : memref<1x128x64xf32, #tpu.memory_space<hbm>> -> memref<128x64xf32, #tpu.memory_space<hbm>>
        tpu.wait_dma2 semaphore(%run_scoped3A : memref<!tpu.dma_semaphore, #tpu.memory_space<semaphore_mem>>) src(%dma_wait3A_79 : memref<128x64xf32, #tpu.memory_space<hbm>>) dst(%arg11 : memref<128x64xf32, #tpu.memory_space<vmem>>)
        tpu.yield
      }) : () -> ()
      %dma_start3A_56 = arith.constant 0 : i32
      %dma_start3A_57 = arith.constant 0 : i32
      %dma_start3A_58 = tpu.memref_slice %arg7[%dma_start3A_56, %dma_start3A_57] : memref<10000x64xf32, #tpu.memory_space<vmem_shared>> -> memref<10000x64xf32, #tpu.memory_space<vmem_shared>>
      tpu.enqueue_indirect_dma source(%dma_start3A_58 : memref<10000x64xf32, #tpu.memory_space<vmem_shared>>) target(%arg12 : memref<128x64xf32, #tpu.memory_space<vmem>>) offsets(%arg9 : memref<128xi32, #tpu.memory_space<vmem>>) semaphore(%arg17 : memref<!tpu.dma_semaphore, #tpu.memory_space<semaphore_mem>>)
      %dma_wait3A_59 = arith.constant 0 : i32
      %dma_wait3A_60 = arith.constant 0 : i32
      %dma_wait3A_61 = tpu.memref_slice %arg7[%dma_wait3A_59, %dma_wait3A_60] : memref<10000x64xf32, #tpu.memory_space<vmem_shared>> -> memref<10000x64xf32, #tpu.memory_space<vmem_shared>>
      tpu.wait_indirect_dma semaphore(%arg17 : memref<!tpu.dma_semaphore, #tpu.memory_space<semaphore_mem>>) src(%dma_wait3A_61 : memref<10000x64xf32, #tpu.memory_space<vmem_shared>>) dst(%arg12 : memref<128x64xf32, #tpu.memory_space<vmem>>)
      %scan3A_62 = arith.constant 0 : i32
      %scan3A_63 = arith.constant 0 : i32
      %scan3A_64 = arith.constant 128 : i32
      %scan3A_65 = arith.addi %scan3A_63, %scan3A_64 : i32
      %scan3A_66 = arith.constant 1 : i32
      scf.for %scan3A_68 = %scan3A_63 to %scan3A_65 step %scan3A_66  : i32 {
        %get3A = arith.index_cast %scan3A_68 : i32 to index
        %get3A_69 = arith.constant 0 : index
        %get3A_70 = tpu.vector_load %arg12[%get3A, %get3A_69] {strides = array<i32>} : memref<128x64xf32, #tpu.memory_space<vmem>>, vector<1x16xf32>,
        %get3A_71 = vector.shape_cast %get3A_70 : vector<1x16xf32> to vector<16xf32>
        %get3A_72 = arith.index_cast %scan3A_68 : i32 to index
        %get3A_73 = arith.constant 0 : index
        %get3A_74 = tpu.vector_load %arg11[%get3A_72, %get3A_73] {strides = array<i32>} : memref<128x64xf32, #tpu.memory_space<vmem>>, vector<1x16xf32>,
        %get3A_75 = vector.shape_cast %get3A_74 : vector<1x16xf32> to vector<16xf32>
        %add3A_76 = arith.addf %get3A_71, %get3A_75 : vector<16xf32>
        %max3A = arith.constant 0.000000e+00 : f32
        %max3A_77 = vector.broadcast %max3A : f32 to vector<16xf32>
        %max3A_78 = arith.maximumf %add3A_76, %max3A_77 : vector<16xf32>
        %swap3A = arith.index_cast %scan3A_68 : i32 to index
        %swap3A_79 = arith.constant 0 : index
        %swap3A_80 = tpu.vector_load %arg12[%swap3A, %swap3A_79] {strides = array<i32>} : memref<128x64xf32, #tpu.memory_space<vmem>>, vector<1x16xf32>,
        %swap3A_81 = vector.shape_cast %swap3A_80 : vector<1x16xf32> to vector<16xf32>
        %swap3A_82 = vector.shape_cast %max3A_78 : vector<16xf32> to vector<1x16xf32>
        tpu.vector_store %arg12[%swap3A, %swap3A_79], %swap3A_82 {strides = array<i32>} : memref<128x64xf32, #tpu.memory_space<vmem>>, vector<1x16xf32>,
        %get3A_83 = arith.index_cast %scan3A_68 : i32 to index
        %get3A_84 = arith.constant 16 : index
        %get3A_85 = tpu.vector_load %arg12[%get3A_83, %get3A_84] {strides = array<i32>} : memref<128x64xf32, #tpu.memory_space<vmem>>, vector<1x16xf32>,
        %get3A_86 = vector.shape_cast %get3A_85 : vector<1x16xf32> to vector<16xf32>
        %get3A_87 = arith.index_cast %scan3A_68 : i32 to index
        %get3A_88 = arith.constant 16 : index
        %get3A_89 = tpu.vector_load %arg11[%get3A_87, %get3A_88] {strides = array<i32>} : memref<128x64xf32, #tpu.memory_space<vmem>>, vector<1x16xf32>,
        %get3A_90 = vector.shape_cast %get3A_89 : vector<1x16xf32> to vector<16xf32>
        %add3A_91 = arith.addf %get3A_86, %get3A_90 : vector<16xf32>
        %max3A_92 = arith.constant 0.000000e+00 : f32
        %max3A_93 = vector.broadcast %max3A_92 : f32 to vector<16xf32>
        %max3A_94 = arith.maximumf %add3A_91, %max3A_93 : vector<16xf32>
        %swap3A_95 = arith.index_cast %scan3A_68 : i32 to index
        %swap3A_96 = arith.constant 16 : index
        %swap3A_97 = tpu.vector_load %arg12[%swap3A_95, %swap3A_96] {strides = array<i32>} : memref<128x64xf32, #tpu.memory_space<vmem>>, vector<1x16xf32>,
        %swap3A_98 = vector.shape_cast %swap3A_97 : vector<1x16xf32> to vector<16xf32>
        %swap3A_99 = vector.shape_cast %max3A_94 : vector<16xf32> to vector<1x16xf32>
        tpu.vector_store %arg12[%swap3A_95, %swap3A_96], %swap3A_99 {strides = array<i32>} : memref<128x64xf32, #tpu.memory_space<vmem>>, vector<1x16xf32>,
        %get3A_100 = arith.index_cast %scan3A_68 : i32 to index
        %get3A_101 = arith.constant 32 : index
        %get3A_102 = tpu.vector_load %arg12[%get3A_100, %get3A_101] {strides = array<i32>} : memref<128x64xf32, #tpu.memory_space<vmem>>, vector<1x16xf32>,
        %get3A_103 = vector.shape_cast %get3A_102 : vector<1x16xf32> to vector<16xf32>
        %get3A_104 = arith.index_cast %scan3A_68 : i32 to index
        %get3A_105 = arith.constant 32 : index
        %get3A_106 = tpu.vector_load %arg11[%get3A_104, %get3A_105] {strides = array<i32>} : memref<128x64xf32, #tpu.memory_space<vmem>>, vector<1x16xf32>,
        %get3A_107 = vector.shape_cast %get3A_106 : vector<1x16xf32> to vector<16xf32>
        %add3A_108 = arith.addf %get3A_103, %get3A_107 : vector<16xf32>
        %max3A_109 = arith.constant 0.000000e+00 : f32
        %max3A_110 = vector.broadcast %max3A_109 : f32 to vector<16xf32>
        %max3A_111 = arith.maximumf %add3A_108, %max3A_110 : vector<16xf32>
        %swap3A_112 = arith.index_cast %scan3A_68 : i32 to index
        %swap3A_113 = arith.constant 32 : index
        %swap3A_114 = tpu.vector_load %arg12[%swap3A_112, %swap3A_113] {strides = array<i32>} : memref<128x64xf32, #tpu.memory_space<vmem>>, vector<1x16xf32>,
        %swap3A_115 = vector.shape_cast %swap3A_114 : vector<1x16xf32> to vector<16xf32>
        %swap3A_116 = vector.shape_cast %max3A_111 : vector<16xf32> to vector<1x16xf32>
        tpu.vector_store %arg12[%swap3A_112, %swap3A_113], %swap3A_116 {strides = array<i32>} : memref<128x64xf32, #tpu.memory_space<vmem>>, vector<1x16xf32>,
        %get3A_117 = arith.index_cast %scan3A_68 : i32 to index
        %get3A_118 = arith.constant 48 : index
        %get3A_119 = tpu.vector_load %arg12[%get3A_117, %get3A_118] {strides = array<i32>} : memref<128x64xf32, #tpu.memory_space<vmem>>, vector<1x16xf32>,
        %get3A_120 = vector.shape_cast %get3A_119 : vector<1x16xf32> to vector<16xf32>
        %get3A_121 = arith.index_cast %scan3A_68 : i32 to index
        %get3A_122 = arith.constant 48 : index
        %get3A_123 = tpu.vector_load %arg11[%get3A_121, %get3A_122] {strides = array<i32>} : memref<128x64xf32, #tpu.memory_space<vmem>>, vector<1x16xf32>,
        %get3A_124 = vector.shape_cast %get3A_123 : vector<1x16xf32> to vector<16xf32>
        %add3A_125 = arith.addf %get3A_120, %get3A_124 : vector<16xf32>
        %max3A_126 = arith.constant 0.000000e+00 : f32
        %max3A_127 = vector.broadcast %max3A_126 : f32 to vector<16xf32>
        %max3A_128 = arith.maximumf %add3A_125, %max3A_127 : vector<16xf32>
        %swap3A_129 = arith.index_cast %scan3A_68 : i32 to index
        %swap3A_130 = arith.constant 48 : index
        %swap3A_131 = tpu.vector_load %arg12[%swap3A_129, %swap3A_130] {strides = array<i32>} : memref<128x64xf32, #tpu.memory_space<vmem>>, vector<1x16xf32>,
        %swap3A_132 = vector.shape_cast %swap3A_131 : vector<1x16xf32> to vector<16xf32>
        %swap3A_133 = vector.shape_cast %max3A_128 : vector<16xf32> to vector<1x16xf32>
        tpu.vector_store %arg12[%swap3A_129, %swap3A_130], %swap3A_133 {strides = array<i32>} : memref<128x64xf32, #tpu.memory_space<vmem>>, vector<1x16xf32>,
      }
      %scan3A_67 = arith.constant 128 : i32
      "tpu.region"() ({
        %run_scoped3A = tpu.sem_alloc : memref<!tpu.dma_semaphore, #tpu.memory_space<semaphore_mem>>
        %dma_start3A_68 = arith.constant 0 : i32
        %dma_start3A_69 = arith.constant 0 : i32
        %dma_start3A_70 = tpu.memref_slice %arg8[%dma_start3A_68, %dma_start3A_69] : memref<10000x64xf32, #tpu.memory_space<vmem_shared>> -> memref<10000x64xf32, #tpu.memory_space<vmem_shared>>
        tpu.enqueue_indirect_dma source(%arg12 : memref<128x64xf32, #tpu.memory_space<vmem>>) target(%dma_start3A_70 : memref<10000x64xf32, #tpu.memory_space<vmem_shared>>) offsets(%arg10 : memref<128xi32, #tpu.memory_space<vmem>>) semaphore(%run_scoped3A : memref<!tpu.dma_semaphore, #tpu.memory_space<semaphore_mem>>) {add = true}
        %dma_wait3A_71 = arith.constant 0 : i32
        %dma_wait3A_72 = arith.constant 0 : i32
        %dma_wait3A_73 = tpu.memref_slice %arg8[%dma_wait3A_71, %dma_wait3A_72] : memref<10000x64xf32, #tpu.memory_space<vmem_shared>> -> memref<10000x64xf32, #tpu.memory_space<vmem_shared>>
        tpu.wait_indirect_dma semaphore(%run_scoped3A : memref<!tpu.dma_semaphore, #tpu.memory_space<semaphore_mem>>) src(%arg12 : memref<128x64xf32, #tpu.memory_space<vmem>>) dst(%dma_wait3A_73 : memref<10000x64xf32, #tpu.memory_space<vmem_shared>>)
        tpu.yield
      }) : () -> ()
    }
    %scan3A_34 = arith.constant 156 : i32
    %add3A_35 = arith.constant 19968 : i32
    %add3A_36 = arith.addi %mul3A_28, %add3A_35 : i32
    "tpu.region"() ({
      %run_scoped3A = tpu.sem_alloc : memref<!tpu.dma_semaphore, #tpu.memory_space<semaphore_mem>>
      %dma_start3A_52 = tpu.memref_slice %arg3[%add3A_36] : memref<320000xi32, #tpu.memory_space<hbm>> -> memref<32xi32, #tpu.memory_space<hbm>>
      %dma_start3A_53 = tpu.memref_slice %arg3[%add3A_36] : memref<320000xi32, #tpu.memory_space<hbm>> -> memref<32xi32, #tpu.memory_space<hbm>>
      tpu.enqueue_dma source(%dma_start3A_53 : memref<32xi32, #tpu.memory_space<hbm>>) target(%arg13 : memref<32xi32, #tpu.memory_space<vmem>>) target_semaphore(%run_scoped3A : memref<!tpu.dma_semaphore, #tpu.memory_space<semaphore_mem>>)
      %dma_wait3A_54 = tpu.memref_slice %arg3[%add3A_36] : memref<320000xi32, #tpu.memory_space<hbm>> -> memref<32xi32, #tpu.memory_space<hbm>>
      %dma_wait3A_55 = tpu.memref_slice %arg3[%add3A_36] : memref<320000xi32, #tpu.memory_space<hbm>> -> memref<32xi32, #tpu.memory_space<hbm>>
      tpu.wait_dma2 semaphore(%run_scoped3A : memref<!tpu.dma_semaphore, #tpu.memory_space<semaphore_mem>>) src(%dma_wait3A_55 : memref<32xi32, #tpu.memory_space<hbm>>) dst(%arg13 : memref<32xi32, #tpu.memory_space<vmem>>)
      tpu.yield
    }) : () -> ()
    "tpu.region"() ({
      %run_scoped3A = tpu.sem_alloc : memref<!tpu.dma_semaphore, #tpu.memory_space<semaphore_mem>>
      %dma_start3A_52 = tpu.memref_slice %arg4[%add3A_36] : memref<320000xi32, #tpu.memory_space<hbm>> -> memref<32xi32, #tpu.memory_space<hbm>>
      %dma_start3A_53 = tpu.memref_slice %arg4[%add3A_36] : memref<320000xi32, #tpu.memory_space<hbm>> -> memref<32xi32, #tpu.memory_space<hbm>>
      tpu.enqueue_dma source(%dma_start3A_53 : memref<32xi32, #tpu.memory_space<hbm>>) target(%arg14 : memref<32xi32, #tpu.memory_space<vmem>>) target_semaphore(%run_scoped3A : memref<!tpu.dma_semaphore, #tpu.memory_space<semaphore_mem>>)
      %dma_wait3A_54 = tpu.memref_slice %arg4[%add3A_36] : memref<320000xi32, #tpu.memory_space<hbm>> -> memref<32xi32, #tpu.memory_space<hbm>>
      %dma_wait3A_55 = tpu.memref_slice %arg4[%add3A_36] : memref<320000xi32, #tpu.memory_space<hbm>> -> memref<32xi32, #tpu.memory_space<hbm>>
      tpu.wait_dma2 semaphore(%run_scoped3A : memref<!tpu.dma_semaphore, #tpu.memory_space<semaphore_mem>>) src(%dma_wait3A_55 : memref<32xi32, #tpu.memory_space<hbm>>) dst(%arg14 : memref<32xi32, #tpu.memory_space<vmem>>)
      tpu.yield
    }) : () -> ()
    "tpu.region"() ({
      %run_scoped3A = tpu.sem_alloc : memref<!tpu.dma_semaphore, #tpu.memory_space<semaphore_mem>>
      %dma_start3A_52 = arith.constant 0 : i32
      %dma_start3A_53 = tpu.memref_slice %arg5[%arg0, %add3A_36, %dma_start3A_52] : memref<2x320000x64xf32, #tpu.memory_space<hbm>> -> memref<1x32x64xf32, #tpu.memory_space<hbm>>
      %dma_start3A_54 = tpu.memref_squeeze %dma_start3A_53 : memref<1x32x64xf32, #tpu.memory_space<hbm>> -> memref<32x64xf32, #tpu.memory_space<hbm>>
      %dma_start3A_55 = arith.constant 0 : i32
      %dma_start3A_56 = tpu.memref_slice %arg5[%arg0, %add3A_36, %dma_start3A_55] : memref<2x320000x64xf32, #tpu.memory_space<hbm>> -> memref<1x32x64xf32, #tpu.memory_space<hbm>>
      %dma_start3A_57 = tpu.memref_squeeze %dma_start3A_56 : memref<1x32x64xf32, #tpu.memory_space<hbm>> -> memref<32x64xf32, #tpu.memory_space<hbm>>
      tpu.enqueue_dma source(%dma_start3A_57 : memref<32x64xf32, #tpu.memory_space<hbm>>) target(%arg15 : memref<32x64xf32, #tpu.memory_space<vmem>>) target_semaphore(%run_scoped3A : memref<!tpu.dma_semaphore, #tpu.memory_space<semaphore_mem>>)
      %dma_wait3A_58 = arith.constant 0 : i32
      %dma_wait3A_59 = tpu.memref_slice %arg5[%arg0, %add3A_36, %dma_wait3A_58] : memref<2x320000x64xf32, #tpu.memory_space<hbm>> -> memref<1x32x64xf32, #tpu.memory_space<hbm>>
      %dma_wait3A_60 = tpu.memref_squeeze %dma_wait3A_59 : memref<1x32x64xf32, #tpu.memory_space<hbm>> -> memref<32x64xf32, #tpu.memory_space<hbm>>
      %dma_wait3A_61 = arith.constant 0 : i32
      %dma_wait3A_62 = tpu.memref_slice %arg5[%arg0, %add3A_36, %dma_wait3A_61] : memref<2x320000x64xf32, #tpu.memory_space<hbm>> -> memref<1x32x64xf32, #tpu.memory_space<hbm>>
      %dma_wait3A_63 = tpu.memref_squeeze %dma_wait3A_62 : memref<1x32x64xf32, #tpu.memory_space<hbm>> -> memref<32x64xf32, #tpu.memory_space<hbm>>
      tpu.wait_dma2 semaphore(%run_scoped3A : memref<!tpu.dma_semaphore, #tpu.memory_space<semaphore_mem>>) src(%dma_wait3A_63 : memref<32x64xf32, #tpu.memory_space<hbm>>) dst(%arg15 : memref<32x64xf32, #tpu.memory_space<vmem>>)
      tpu.yield
    }) : () -> ()
    %dma_start3A = arith.constant 0 : i32
    %dma_start3A_37 = arith.constant 0 : i32
    %dma_start3A_38 = tpu.memref_slice %arg7[%dma_start3A, %dma_start3A_37] : memref<10000x64xf32, #tpu.memory_space<vmem_shared>> -> memref<10000x64xf32, #tpu.memory_space<vmem_shared>>
    tpu.enqueue_indirect_dma source(%dma_start3A_38 : memref<10000x64xf32, #tpu.memory_space<vmem_shared>>) target(%arg16 : memref<32x64xf32, #tpu.memory_space<vmem>>) offsets(%arg13 : memref<32xi32, #tpu.memory_space<vmem>>) semaphore(%arg17 : memref<!tpu.dma_semaphore, #tpu.memory_space<semaphore_mem>>)
    %dma_wait3A = arith.constant 0 : i32
    %dma_wait3A_39 = arith.constant 0 : i32
    %dma_wait3A_40 = tpu.memref_slice %arg7[%dma_wait3A, %dma_wait3A_39] : memref<10000x64xf32, #tpu.memory_space<vmem_shared>> -> memref<10000x64xf32, #tpu.memory_space<vmem_shared>>
    tpu.wait_indirect_dma semaphore(%arg17 : memref<!tpu.dma_semaphore, #tpu.memory_space<semaphore_mem>>) src(%dma_wait3A_40 : memref<10000x64xf32, #tpu.memory_space<vmem_shared>>) dst(%arg16 : memref<32x64xf32, #tpu.memory_space<vmem>>)
    %scan3A_41 = arith.constant 0 : i32
    %scan3A_42 = arith.constant 0 : i32
    %scan3A_43 = arith.constant 32 : i32
    %scan3A_44 = arith.addi %scan3A_42, %scan3A_43 : i32
    %scan3A_45 = arith.constant 1 : i32
    scf.for %scan3A_52 = %scan3A_42 to %scan3A_44 step %scan3A_45  : i32 {
      %get3A = arith.index_cast %scan3A_52 : i32 to index
      %get3A_53 = arith.constant 0 : index
      %get3A_54 = tpu.vector_load %arg16[%get3A, %get3A_53] {strides = array<i32>} : memref<32x64xf32, #tpu.memory_space<vmem>>, vector<1x16xf32>,
      %get3A_55 = vector.shape_cast %get3A_54 : vector<1x16xf32> to vector<16xf32>
      %get3A_56 = arith.index_cast %scan3A_52 : i32 to index
      %get3A_57 = arith.constant 0 : index
      %get3A_58 = tpu.vector_load %arg15[%get3A_56, %get3A_57] {strides = array<i32>} : memref<32x64xf32, #tpu.memory_space<vmem>>, vector<1x16xf32>,
      %get3A_59 = vector.shape_cast %get3A_58 : vector<1x16xf32> to vector<16xf32>
      %add3A_60 = arith.addf %get3A_55, %get3A_59 : vector<16xf32>
      %max3A = arith.constant 0.000000e+00 : f32
      %max3A_61 = vector.broadcast %max3A : f32 to vector<16xf32>
      %max3A_62 = arith.maximumf %add3A_60, %max3A_61 : vector<16xf32>
      %swap3A = arith.index_cast %scan3A_52 : i32 to index
      %swap3A_63 = arith.constant 0 : index
      %swap3A_64 = tpu.vector_load %arg16[%swap3A, %swap3A_63] {strides = array<i32>} : memref<32x64xf32, #tpu.memory_space<vmem>>, vector<1x16xf32>,
      %swap3A_65 = vector.shape_cast %swap3A_64 : vector<1x16xf32> to vector<16xf32>
      %swap3A_66 = vector.shape_cast %max3A_62 : vector<16xf32> to vector<1x16xf32>
      tpu.vector_store %arg16[%swap3A, %swap3A_63], %swap3A_66 {strides = array<i32>} : memref<32x64xf32, #tpu.memory_space<vmem>>, vector<1x16xf32>,
      %get3A_67 = arith.index_cast %scan3A_52 : i32 to index
      %get3A_68 = arith.constant 16 : index
      %get3A_69 = tpu.vector_load %arg16[%get3A_67, %get3A_68] {strides = array<i32>} : memref<32x64xf32, #tpu.memory_space<vmem>>, vector<1x16xf32>,
      %get3A_70 = vector.shape_cast %get3A_69 : vector<1x16xf32> to vector<16xf32>
      %get3A_71 = arith.index_cast %scan3A_52 : i32 to index
      %get3A_72 = arith.constant 16 : index
      %get3A_73 = tpu.vector_load %arg15[%get3A_71, %get3A_72] {strides = array<i32>} : memref<32x64xf32, #tpu.memory_space<vmem>>, vector<1x16xf32>,
      %get3A_74 = vector.shape_cast %get3A_73 : vector<1x16xf32> to vector<16xf32>
      %add3A_75 = arith.addf %get3A_70, %get3A_74 : vector<16xf32>
      %max3A_76 = arith.constant 0.000000e+00 : f32
      %max3A_77 = vector.broadcast %max3A_76 : f32 to vector<16xf32>
      %max3A_78 = arith.maximumf %add3A_75, %max3A_77 : vector<16xf32>
      %swap3A_79 = arith.index_cast %scan3A_52 : i32 to index
      %swap3A_80 = arith.constant 16 : index
      %swap3A_81 = tpu.vector_load %arg16[%swap3A_79, %swap3A_80] {strides = array<i32>} : memref<32x64xf32, #tpu.memory_space<vmem>>, vector<1x16xf32>,
      %swap3A_82 = vector.shape_cast %swap3A_81 : vector<1x16xf32> to vector<16xf32>
      %swap3A_83 = vector.shape_cast %max3A_78 : vector<16xf32> to vector<1x16xf32>
      tpu.vector_store %arg16[%swap3A_79, %swap3A_80], %swap3A_83 {strides = array<i32>} : memref<32x64xf32, #tpu.memory_space<vmem>>, vector<1x16xf32>,
      %get3A_84 = arith.index_cast %scan3A_52 : i32 to index
      %get3A_85 = arith.constant 32 : index
      %get3A_86 = tpu.vector_load %arg16[%get3A_84, %get3A_85] {strides = array<i32>} : memref<32x64xf32, #tpu.memory_space<vmem>>, vector<1x16xf32>,
      %get3A_87 = vector.shape_cast %get3A_86 : vector<1x16xf32> to vector<16xf32>
      %get3A_88 = arith.index_cast %scan3A_52 : i32 to index
      %get3A_89 = arith.constant 32 : index
      %get3A_90 = tpu.vector_load %arg15[%get3A_88, %get3A_89] {strides = array<i32>} : memref<32x64xf32, #tpu.memory_space<vmem>>, vector<1x16xf32>,
      %get3A_91 = vector.shape_cast %get3A_90 : vector<1x16xf32> to vector<16xf32>
      %add3A_92 = arith.addf %get3A_87, %get3A_91 : vector<16xf32>
      %max3A_93 = arith.constant 0.000000e+00 : f32
      %max3A_94 = vector.broadcast %max3A_93 : f32 to vector<16xf32>
      %max3A_95 = arith.maximumf %add3A_92, %max3A_94 : vector<16xf32>
      %swap3A_96 = arith.index_cast %scan3A_52 : i32 to index
      %swap3A_97 = arith.constant 32 : index
      %swap3A_98 = tpu.vector_load %arg16[%swap3A_96, %swap3A_97] {strides = array<i32>} : memref<32x64xf32, #tpu.memory_space<vmem>>, vector<1x16xf32>,
      %swap3A_99 = vector.shape_cast %swap3A_98 : vector<1x16xf32> to vector<16xf32>
      %swap3A_100 = vector.shape_cast %max3A_95 : vector<16xf32> to vector<1x16xf32>
      tpu.vector_store %arg16[%swap3A_96, %swap3A_97], %swap3A_100 {strides = array<i32>} : memref<32x64xf32, #tpu.memory_space<vmem>>, vector<1x16xf32>,
      %get3A_101 = arith.index_cast %scan3A_52 : i32 to index
      %get3A_102 = arith.constant 48 : index
      %get3A_103 = tpu.vector_load %arg16[%get3A_101, %get3A_102] {strides = array<i32>} : memref<32x64xf32, #tpu.memory_space<vmem>>, vector<1x16xf32>,
      %get3A_104 = vector.shape_cast %get3A_103 : vector<1x16xf32> to vector<16xf32>
      %get3A_105 = arith.index_cast %scan3A_52 : i32 to index
      %get3A_106 = arith.constant 48 : index
      %get3A_107 = tpu.vector_load %arg15[%get3A_105, %get3A_106] {strides = array<i32>} : memref<32x64xf32, #tpu.memory_space<vmem>>, vector<1x16xf32>,
      %get3A_108 = vector.shape_cast %get3A_107 : vector<1x16xf32> to vector<16xf32>
      %add3A_109 = arith.addf %get3A_104, %get3A_108 : vector<16xf32>
      %max3A_110 = arith.constant 0.000000e+00 : f32
      %max3A_111 = vector.broadcast %max3A_110 : f32 to vector<16xf32>
      %max3A_112 = arith.maximumf %add3A_109, %max3A_111 : vector<16xf32>
      %swap3A_113 = arith.index_cast %scan3A_52 : i32 to index
      %swap3A_114 = arith.constant 48 : index
      %swap3A_115 = tpu.vector_load %arg16[%swap3A_113, %swap3A_114] {strides = array<i32>} : memref<32x64xf32, #tpu.memory_space<vmem>>, vector<1x16xf32>,
      %swap3A_116 = vector.shape_cast %swap3A_115 : vector<1x16xf32> to vector<16xf32>
      %swap3A_117 = vector.shape_cast %max3A_112 : vector<16xf32> to vector<1x16xf32>
      tpu.vector_store %arg16[%swap3A_113, %swap3A_114], %swap3A_117 {strides = array<i32>} : memref<32x64xf32, #tpu.memory_space<vmem>>, vector<1x16xf32>,
    }
    %scan3A_46 = arith.constant 32 : i32
    "tpu.region"() ({
      %run_scoped3A = tpu.sem_alloc : memref<!tpu.dma_semaphore, #tpu.memory_space<semaphore_mem>>
      %dma_start3A_52 = arith.constant 0 : i32
      %dma_start3A_53 = arith.constant 0 : i32
      %dma_start3A_54 = tpu.memref_slice %arg8[%dma_start3A_52, %dma_start3A_53] : memref<10000x64xf32, #tpu.memory_space<vmem_shared>> -> memref<10000x64xf32, #tpu.memory_space<vmem_shared>>
      tpu.enqueue_indirect_dma source(%arg16 : memref<32x64xf32, #tpu.memory_space<vmem>>) target(%dma_start3A_54 : memref<10000x64xf32, #tpu.memory_space<vmem_shared>>) offsets(%arg14 : memref<32xi32, #tpu.memory_space<vmem>>) semaphore(%run_scoped3A : memref<!tpu.dma_semaphore, #tpu.memory_space<semaphore_mem>>) {add = true}
      %dma_wait3A_55 = arith.constant 0 : i32
      %dma_wait3A_56 = arith.constant 0 : i32
      %dma_wait3A_57 = tpu.memref_slice %arg8[%dma_wait3A_55, %dma_wait3A_56] : memref<10000x64xf32, #tpu.memory_space<vmem_shared>> -> memref<10000x64xf32, #tpu.memory_space<vmem_shared>>
      tpu.wait_indirect_dma semaphore(%run_scoped3A : memref<!tpu.dma_semaphore, #tpu.memory_space<semaphore_mem>>) src(%arg16 : memref<32x64xf32, #tpu.memory_space<vmem>>) dst(%dma_wait3A_57 : memref<10000x64xf32, #tpu.memory_space<vmem_shared>>)
      tpu.yield
    }) : () -> ()
    %barrier3A_47 = arith.constant 0 : index
    tpu.barrier barrier_id(%barrier3A_47)
    %mul3A_48 = arith.constant 624 : i32
    %mul3A_49 = arith.muli %arg1, %mul3A_48 : i32
    %mul3A_50 = arith.constant 624 : i32
    %mul3A_51 = arith.muli %arg1, %mul3A_50 : i32
    "tpu.region"() ({
      %run_scoped3A = tpu.sem_alloc : memref<!tpu.dma_semaphore, #tpu.memory_space<semaphore_mem>>
      %dma_start3A_52 = arith.constant 0 : i32
      %dma_start3A_53 = tpu.memref_slice %arg6[%arg0, %mul3A_51, %dma_start3A_52] : memref<2x10000x64xf32, #tpu.memory_space<hbm>> -> memref<1x640x64xf32, #tpu.memory_space<hbm>>
      %dma_start3A_54 = tpu.memref_squeeze %dma_start3A_53 : memref<1x640x64xf32, #tpu.memory_space<hbm>> -> memref<640x64xf32, #tpu.memory_space<hbm>>
      %dma_start3A_55 = arith.constant 0 : i32
      %dma_start3A_56 = tpu.memref_slice %arg8[%mul3A_49, %dma_start3A_55] : memref<10000x64xf32, #tpu.memory_space<vmem_shared>> -> memref<640x64xf32, #tpu.memory_space<vmem_shared>>
      tpu.enqueue_dma source(%dma_start3A_56 : memref<640x64xf32, #tpu.memory_space<vmem_shared>>) target(%dma_start3A_54 : memref<640x64xf32, #tpu.memory_space<hbm>>) target_semaphore(%run_scoped3A : memref<!tpu.dma_semaphore, #tpu.memory_space<semaphore_mem>>)
      %dma_wait3A_57 = arith.constant 0 : i32
      %dma_wait3A_58 = tpu.memref_slice %arg6[%arg0, %mul3A_51, %dma_wait3A_57] : memref<2x10000x64xf32, #tpu.memory_space<hbm>> -> memref<1x640x64xf32, #tpu.memory_space<hbm>>
      %dma_wait3A_59 = tpu.memref_squeeze %dma_wait3A_58 : memref<1x640x64xf32, #tpu.memory_space<hbm>> -> memref<640x64xf32, #tpu.memory_space<hbm>>
      %dma_wait3A_60 = arith.constant 0 : i32
      %dma_wait3A_61 = tpu.memref_slice %arg8[%mul3A_49, %dma_wait3A_60] : memref<10000x64xf32, #tpu.memory_space<vmem_shared>> -> memref<640x64xf32, #tpu.memory_space<vmem_shared>>
      tpu.wait_dma2 semaphore(%run_scoped3A : memref<!tpu.dma_semaphore, #tpu.memory_space<semaphore_mem>>) src(%dma_wait3A_61 : memref<640x64xf32, #tpu.memory_space<vmem_shared>>) dst(%dma_wait3A_59 : memref<640x64xf32, #tpu.memory_space<hbm>>)
      tpu.yield
    }) : () -> ()
    return
  }
}

module attributes {stable_mosaic.version = 14 : i64} {
  func.func @_ea_body(%arg0: i32, %arg1: memref<2000x16xf32, #tpu.memory_space<vmem>>, %arg2: memref<16x128xf32, #tpu.memory_space<vmem>>, %arg3: memref<1x128xf32, #tpu.memory_space<vmem>>, %arg4: memref<2x2000x64xf32, #tpu.memory_space<vmem>>) attributes {dimension_semantics = [#tpu.dimension_semantics<arbitrary>], iteration_bounds = array<i64: 160>, scalar_prefetch = 0 : i64, scratch_operands = 0 : i64, tpu.core_type = #tpu.core_type<tc>, window_params = [{transform_indices = @transform_0, window_bounds = array<i64: 2000, 16>}, {pipeline_mode = #tpu.pipeline_mode<synchronous>, transform_indices = @transform_1, window_bounds = array<i64: 16, 128>}, {pipeline_mode = #tpu.pipeline_mode<synchronous>, transform_indices = @transform_2, window_bounds = array<i64: 1, 128>}, {transform_indices = @transform_3, window_bounds = array<i64: 2, 2000, 64>}]} {
    %get3A = arith.constant 0 : index
    %get3A_0 = arith.constant 0 : index
    %get3A_1 = vector.load %arg1[%get3A, %get3A_0] : memref<2000x16xf32, #tpu.memory_space<vmem>>, vector<2000x16xf32>
    %get3A_2 = arith.constant 0 : index
    %get3A_3 = arith.constant 0 : index
    %get3A_4 = vector.load %arg2[%get3A_2, %get3A_3] : memref<16x128xf32, #tpu.memory_space<vmem>>, vector<16x128xf32>
    %dot_general3A = arith.constant dense<0.000000e+00> : vector<2000x128xf32>
    %dot_general3A_5 = tpu.matmul %get3A_1, %get3A_4, %dot_general3A {dimension_numbers = #tpu.dot_dimension_numbers<[1], [0], [0], [1], [0, 0, 1, 1], [], []>, transpose_lhs_hint = false} : vector<2000x16xf32>, vector<16x128xf32>, vector<2000x128xf32> -> vector<2000x128xf32>
    %get3A_6 = arith.constant 0 : index
    %get3A_7 = arith.constant 0 : index
    %get3A_8 = vector.load %arg3[%get3A_6, %get3A_7] : memref<1x128xf32, #tpu.memory_space<vmem>>, vector<1x128xf32>
    %add3A = vector.broadcast %get3A_8 : vector<1x128xf32> to vector<2000x128xf32>
    %add3A_9 = arith.addf %dot_general3A_5, %add3A : vector<2000x128xf32>
    %slice3A = vector.extract_strided_slice %add3A_9 {offsets = [0, 0], sizes = [2000, 64], strides = [1, 1]} : vector<2000x128xf32> to vector<2000x64xf32>
    %swap3A = arith.constant 0 : index
    %swap3A_10 = arith.constant 0 : index
    %swap3A_11 = arith.constant 0 : index
    %swap3A_12 = vector.load %arg4[%swap3A, %swap3A_10, %swap3A_11] : memref<2x2000x64xf32, #tpu.memory_space<vmem>>, vector<1x2000x64xf32>
    %swap3A_13 = vector.shape_cast %swap3A_12 : vector<1x2000x64xf32> to vector<2000x64xf32>
    %swap3A_14 = vector.shape_cast %slice3A : vector<2000x64xf32> to vector<1x2000x64xf32>
    tpu.vector_store %arg4[%swap3A, %swap3A_10, %swap3A_11], %swap3A_14 {strides = array<i32>} : memref<2x2000x64xf32, #tpu.memory_space<vmem>>, vector<1x2000x64xf32>,
    %slice3A_15 = vector.extract_strided_slice %add3A_9 {offsets = [0, 64], sizes = [2000, 64], strides = [1, 1]} : vector<2000x128xf32> to vector<2000x64xf32>
    %swap3A_16 = arith.constant 1 : index
    %swap3A_17 = arith.constant 0 : index
    %swap3A_18 = arith.constant 0 : index
    %swap3A_19 = vector.load %arg4[%swap3A_16, %swap3A_17, %swap3A_18] : memref<2x2000x64xf32, #tpu.memory_space<vmem>>, vector<1x2000x64xf32>
    %swap3A_20 = vector.shape_cast %swap3A_19 : vector<1x2000x64xf32> to vector<2000x64xf32>
    %swap3A_21 = vector.shape_cast %slice3A_15 : vector<2000x64xf32> to vector<1x2000x64xf32>
    tpu.vector_store %arg4[%swap3A_16, %swap3A_17, %swap3A_18], %swap3A_21 {strides = array<i32>} : memref<2x2000x64xf32, #tpu.memory_space<vmem>>, vector<1x2000x64xf32>,
    return
  }
  func.func @transform_0(%arg0: i32) -> (i32, i32) {
    %c0_i32 = arith.constant 0 : i32
    %c0_i32_0 = arith.constant 0 : i32
    return %arg0, %c0_i32 : i32, i32
  }
  func.func @transform_1(%arg0: i32) -> (i32, i32) {
    %c0_i32 = arith.constant 0 : i32
    %c0_i32_0 = arith.constant 0 : i32
    %c0_i32_1 = arith.constant 0 : i32
    return %c0_i32, %c0_i32_0 : i32, i32
  }
  func.func @transform_2(%arg0: i32) -> (i32, i32) {
    %c0_i32 = arith.constant 0 : i32
    %c0_i32_0 = arith.constant 0 : i32
    %c0_i32_1 = arith.constant 0 : i32
    return %c0_i32, %c0_i32_0 : i32, i32
  }
  func.func @transform_3(%arg0: i32) -> (i32, i32, i32) {
    %c0_i32 = arith.constant 0 : i32
    %c0_i32_0 = arith.constant 0 : i32
    %c0_i32_1 = arith.constant 0 : i32
    return %c0_i32, %arg0, %c0_i32_0 : i32, i32, i32
  }
}

module attributes {stable_mosaic.version = 14 : i64} {
  func.func @_mlp_body(%arg0: i32, %arg1: memref<2x1000x64xf32, #tpu.memory_space<vmem>>, %arg2: memref<1000x128xf32, #tpu.memory_space<vmem>>, %arg3: memref<256x128xf32, #tpu.memory_space<vmem>>, %arg4: memref<1x128xf32, #tpu.memory_space<vmem>>, %arg5: memref<1xf32, #tpu.memory_space<smem>>, %arg6: memref<1000x128xf32, #tpu.memory_space<vmem>>) attributes {dimension_semantics = [#tpu.dimension_semantics<arbitrary>], iteration_bounds = array<i64: 10>, scalar_prefetch = 0 : i64, scratch_operands = 0 : i64, tpu.core_type = #tpu.core_type<tc>, window_params = [{transform_indices = @transform_0, window_bounds = array<i64: 2, 1000, 64>}, {transform_indices = @transform_1, window_bounds = array<i64: 1000, 128>}, {pipeline_mode = #tpu.pipeline_mode<synchronous>, transform_indices = @transform_2, window_bounds = array<i64: 256, 128>}, {pipeline_mode = #tpu.pipeline_mode<synchronous>, transform_indices = @transform_3, window_bounds = array<i64: 1, 128>}, {transform_indices = @transform_4, window_bounds = array<i64: 1>}, {transform_indices = @transform_5, window_bounds = array<i64: 1000, 128>}]} {
    %get3A = arith.constant 0 : index
    %get3A_0 = arith.constant 0 : index
    %get3A_1 = arith.constant 0 : index
    %get3A_2 = vector.load %arg1[%get3A, %get3A_0, %get3A_1] : memref<2x1000x64xf32, #tpu.memory_space<vmem>>, vector<1x1000x64xf32>
    %get3A_3 = vector.shape_cast %get3A_2 : vector<1x1000x64xf32> to vector<1000x64xf32>
    %get3A_4 = arith.constant 0 : index
    %get3A_5 = arith.constant 0 : index
    %get3A_6 = vector.load %arg3[%get3A_4, %get3A_5] : memref<256x128xf32, #tpu.memory_space<vmem>>, vector<64x128xf32>
    %dot_general3A = arith.constant dense<0.000000e+00> : vector<1000x128xf32>
    %dot_general3A_7 = tpu.matmul %get3A_3, %get3A_6, %dot_general3A {dimension_numbers = #tpu.dot_dimension_numbers<[1], [0], [0], [1], [0, 0, 1, 1], [], []>, transpose_lhs_hint = false} : vector<1000x64xf32>, vector<64x128xf32>, vector<1000x128xf32> -> vector<1000x128xf32>
    %get3A_8 = arith.constant 1 : index
    %get3A_9 = arith.constant 0 : index
    %get3A_10 = arith.constant 0 : index
    %get3A_11 = vector.load %arg1[%get3A_8, %get3A_9, %get3A_10] : memref<2x1000x64xf32, #tpu.memory_space<vmem>>, vector<1x1000x64xf32>
    %get3A_12 = vector.shape_cast %get3A_11 : vector<1x1000x64xf32> to vector<1000x64xf32>
    %get3A_13 = arith.constant 64 : index
    %get3A_14 = arith.constant 0 : index
    %get3A_15 = vector.load %arg3[%get3A_13, %get3A_14] : memref<256x128xf32, #tpu.memory_space<vmem>>, vector<64x128xf32>
    %dot_general3A_16 = arith.constant dense<0.000000e+00> : vector<1000x128xf32>
    %dot_general3A_17 = tpu.matmul %get3A_12, %get3A_15, %dot_general3A_16 {dimension_numbers = #tpu.dot_dimension_numbers<[1], [0], [0], [1], [0, 0, 1, 1], [], []>, transpose_lhs_hint = false} : vector<1000x64xf32>, vector<64x128xf32>, vector<1000x128xf32> -> vector<1000x128xf32>
    %add3A = arith.addf %dot_general3A_7, %dot_general3A_17 : vector<1000x128xf32>
    %get3A_18 = arith.constant 0 : index
    %get3A_19 = memref.load %arg5[%get3A_18] : memref<1xf32, #tpu.memory_space<smem>>
    %add3A_20 = arith.constant 1.000000e+00 : f32
    %add3A_21 = arith.addf %add3A_20, %get3A_19 : f32
    %get3A_22 = arith.constant 0 : index
    %get3A_23 = arith.constant 0 : index
    %get3A_24 = vector.load %arg2[%get3A_22, %get3A_23] : memref<1000x128xf32, #tpu.memory_space<vmem>>, vector<1000x128xf32>
    %get3A_25 = arith.constant 128 : index
    %get3A_26 = arith.constant 0 : index
    %get3A_27 = vector.load %arg3[%get3A_25, %get3A_26] : memref<256x128xf32, #tpu.memory_space<vmem>>, vector<128x128xf32>
    %dot_general3A_28 = arith.constant dense<0.000000e+00> : vector<1000x128xf32>
    %dot_general3A_29 = tpu.matmul %get3A_24, %get3A_27, %dot_general3A_28 {dimension_numbers = #tpu.dot_dimension_numbers<[1], [0], [0], [1], [0, 0, 1, 1], [], []>, transpose_lhs_hint = false} : vector<1000x128xf32>, vector<128x128xf32>, vector<1000x128xf32> -> vector<1000x128xf32>
    %mul3A = vector.broadcast %add3A_21 : f32 to vector<1000x128xf32>
    %mul3A_30 = arith.mulf %mul3A, %dot_general3A_29 : vector<1000x128xf32>
    %add3A_31 = arith.addf %add3A, %mul3A_30 : vector<1000x128xf32>
    %get3A_32 = arith.constant 0 : index
    %get3A_33 = arith.constant 0 : index
    %get3A_34 = vector.load %arg4[%get3A_32, %get3A_33] : memref<1x128xf32, #tpu.memory_space<vmem>>, vector<1x128xf32>
    %add3A_35 = vector.broadcast %get3A_34 : vector<1x128xf32> to vector<1000x128xf32>
    %add3A_36 = arith.addf %add3A_31, %add3A_35 : vector<1000x128xf32>
    %gt3A = arith.constant 0.000000e+00 : f32
    %gt3A_37 = vector.broadcast %gt3A : f32 to vector<1000x128xf32>
    %gt3A_38 = arith.cmpf ogt, %add3A_36, %gt3A_37 : vector<1000x128xf32>
    %mul3A_39 = arith.constant 2.000000e-01 : f32
    %mul3A_40 = vector.broadcast %mul3A_39 : f32 to vector<1000x128xf32>
    %mul3A_41 = arith.mulf %mul3A_40, %add3A_36 : vector<1000x128xf32>
    %select_n3A = arith.select %gt3A_38, %add3A_36, %mul3A_41 : vector<1000x128xi1>, vector<1000x128xf32>
    %max3A = arith.constant 0.000000e+00 : f32
    %max3A_42 = vector.broadcast %max3A : f32 to vector<1000x128xf32>
    %max3A_43 = arith.maximumf %select_n3A, %max3A_42 : vector<1000x128xf32>
    %swap3A = arith.constant 0 : index
    %swap3A_44 = arith.constant 0 : index
    %swap3A_45 = vector.load %arg6[%swap3A, %swap3A_44] : memref<1000x128xf32, #tpu.memory_space<vmem>>, vector<1000x128xf32>
    tpu.vector_store %arg6[%swap3A, %swap3A_44], %max3A_43 {strides = array<i32>} : memref<1000x128xf32, #tpu.memory_space<vmem>>, vector<1000x128xf32>,
    return
  }
  func.func @transform_0(%arg0: i32) -> (i32, i32, i32) {
    %c0_i32 = arith.constant 0 : i32
    %c0_i32_0 = arith.constant 0 : i32
    %c0_i32_1 = arith.constant 0 : i32
    return %c0_i32, %arg0, %c0_i32_0 : i32, i32, i32
  }
  func.func @transform_1(%arg0: i32) -> (i32, i32) {
    %c0_i32 = arith.constant 0 : i32
    %c0_i32_0 = arith.constant 0 : i32
    return %arg0, %c0_i32 : i32, i32
  }
  func.func @transform_2(%arg0: i32) -> (i32, i32) {
    %c0_i32 = arith.constant 0 : i32
    %c0_i32_0 = arith.constant 0 : i32
    %c0_i32_1 = arith.constant 0 : i32
    return %c0_i32, %c0_i32_0 : i32, i32
  }
  func.func @transform_3(%arg0: i32) -> (i32, i32) {
    %c0_i32 = arith.constant 0 : i32
    %c0_i32_0 = arith.constant 0 : i32
    %c0_i32_1 = arith.constant 0 : i32
    return %c0_i32, %c0_i32_0 : i32, i32
  }
  func.func @transform_4(%arg0: i32) -> i32 {
    %c0_i32 = arith.constant 0 : i32
    %c0_i32_0 = arith.constant 0 : i32
    return %c0_i32 : i32
  }
  func.func @transform_5(%arg0: i32) -> (i32, i32) {
    %c0_i32 = arith.constant 0 : i32
    %c0_i32_0 = arith.constant 0 : i32
    return %arg0, %c0_i32 : i32, i32
  }
}

</mosaic_0001>

<sc_bundles>
// kernel: kernel.5.cloned.1.call-start
scs
__scs_entry_jumppad:
0x0: {  	(pc) =	sbr.rel $0x88, $3  }
0x1: {  	(tag) =	ssettag $0x0;
	lr =	simm.s32 $0x1  }
0x2: {  	[smem:$0x3F99] =	sst lr;
	_ =	strace $0xD0000000  }
0x3: {  	_ = 	snop  }
0x4: {  	_ = 	snop  }
0x5: {  	_ = 	snop  }
0x6: {  	_ = 	snop  }
0x7: {  	_ = 	snop  }
__scs_overlays_trampoline_lowered:
0x8: {  	[smem:$0x3FA8] =	sst s0  }
0x9: {  	[smem:$0x3FA9] =	sst s1  }
0xa: {  	[smem:$0x3FAA] =	sst s2  }
0xb: {  	[smem:$0x3FAB] =	sst s3  }
0xc: {  	[smem:$0x3FAC] =	sst s4  }
0xd: {  	[smem:$0x3FAD] =	sst s5  }
0xe: {  	[smem:$0x3FAE] =	sst s6  }
0xf: {  	[smem:$0x3FAF] =	sst s7  }
0x10: {  	[smem:$0x3FB0] =	sst s8  }
0x11: {  	[smem:$0x3FB1] =	sst s9;
	s0 =	simm.s32 @!p0 $0x0  }
0x12: {  	s1 =	sld [smem:$0x3F97];
	s0 =	simm.s32 @p0 $0x1  }
0x13: {  	[smem:$0x3FB2] =	sst s0;
	s0 =	simm.s32 @!p1 $0x0  }
0x14: {  	s2 =	sld [smem:$0x3F96];
	s0 =	simm.s32 @p1 $0x1  }
0x15: {  	[smem:$0x3FB3] =	sst s0;
	s0 =	simm.s32 @!p2 $0x0  }
0x16: {  	s3 =	sld [smem:$0x3FDB];
	s0 =	simm.s32 @p2 $0x1  }
0x17: {  	s4 =	simm.s32 $0x1BF5;
	[smem:$0x3FB5] =	sst s0  }
0x18: {  	s0 =	sld [smem:$0x3F98];
	_ =	swait.ge [sflag:s4], $0x0  }
0x19: {  	s7 =	sld [smem:$0x3F99]  }
0x1a: {  	s8 =	sadd.s32 $0xFFFFE003, lr  }
0x1b: {  	s9 =	sadd.s32 $0xFFFFFEF7, lr;
	s5 =	simm.s32 $0xFFFFFFFF;
	p2 =	slt.u32 s8, $0xFFFFF086  }
0x1c: {  	p1 =	slt.u32 s9, $0xF7A;
	s5 =	simm.s32 @!p2 $0x0  }
0x1d: {  	s5 =	simm.s32 @p1 $0x1;
	p0 =	seq.s32 s7, s2  }
0x1e: {  	s7 =	smul.u32 @!p0 $0xF7A, s2;
	p2 =	seq.s32 @!p0 s5, $0x0  }
0x1f: {  	s9 =	smul.u32 $0xF7A, s1;
	s8 =	simm.s32 @!p0 $0x1BF5;
	p2 =	por !p2, p0  }
0x20: {  	[sflag:s8] =	ssyncset.s32 @!p0 $0xFFFFF086;
	s6 =	sadd.s32 @!p0 s3, s7;
	s7 =	simm.s32 @!p0 $0x108  }
0x21: {  	s3 =	sadd.s32 s3, s9;
	s6 =	sadd.s32 @!p0 $0x88, s6;
	s7 =	simm.s32 @p2 $0x1082  }
0x22: {  	[simem:s7], [sflag:s8] =	dma.local @!p0 [hbm:s6], $0xF7A  }
0x23: {  	s9 =	sor.u32 $0xD0000000, s2;
	s6 =	simm.s32 $0x108;
	_ =	swait.ge @!p0 [sflag:s8], $0x0  }
0x24: {  	s3 =	sadd.s32 $0x88, s3;
	s6 =	simm.s32 @!p1 $0x1082;
	[sflag:s4] =	ssyncset.s32 $0xFFFFF086  }
0x25: {  	[simem:s6], [sflag:s4] =	dma.local [hbm:s3], $0xF7A  }
0x26: {  	[smem:$0x3F99] =	sst s1;
	(tag) =	ssettag s2;
	_ =	strace s9  }
0x27: {  	s1 =	sld [smem:$0x3FA9]  }
0x28: {  	s2 =	sld [smem:$0x3FAA]  }
0x29: {  	s4 =	sld [smem:$0x3FAC]  }
0x2a: {  	p0 =	seq.s32 s5, $0x0;
	s5 =	sld [smem:$0x3FAD]  }
0x2b: {  	s6 =	sld [smem:$0x3FAE]  }
0x2c: {  	s7 =	sld [smem:$0x3FAF]  }
0x2d: {  	s3 =	simm.s32 $0x108;
	s8 =	sld [smem:$0x3FB0]  }
0x2e: {  	s3 =	simm.s32 @!p0 $0x1082;
	s9 =	sld [smem:$0x3FB1]  }
0x2f: {  	lr =	sadd.s32 s0, s3;
	s0 =	sld [smem:$0x3FA8]  }
0x30: {  	s3 =	sld [smem:$0x3FAB]  }
0x31: {  	[smem:$0x3FB4] =	sst s10  }
0x32: {  	s10 =	sld [smem:$0x3FB2];
	_ =	sdelay $0x3  }
0x33: {  	p0 =	seq.s32 s10, $0x1;
	s10 =	sld [smem:$0x3FB4];
	_ =	sdelay $0x3  }
0x34: {  	[smem:$0x3FB4] =	sst s10  }
0x35: {  	s10 =	sld [smem:$0x3FB3];
	_ =	sdelay $0x3  }
0x36: {  	p1 =	seq.s32 s10, $0x1;
	s10 =	sld [smem:$0x3FB4];
	_ =	sdelay $0x3  }
0x37: {  	[smem:$0x3FB4] =	sst s10  }
0x38: {  	s10 =	sld [smem:$0x3FB5]  }
0x39: {  	_ = 	snop;
	(pc) =	sbr.ind lr, $3  }
0x3a: {  	_ = 	snop  }
0x3b: {  	_ = 	snop  }
0x3c: {  	p2 =	seq.s32 s10, $0x1;
	s10 =	sld [smem:$0x3FB4]  }
0x3d: {  	_ =	shalt  }
0x3e: {  	_ =	shalt  }
0x3f: {  	_ =	shalt  }
0x40: {  	_ =	shalt  }
0x41: {  	_ =	shalt  }
0x42: {  	_ =	shalt  }
0x43: {  	_ =	shalt  }
0x44: {  	_ =	shalt  }
0x45: {  	_ =	shalt  }
0x46: {  	_ =	shalt  }
0x47: {  	_ =	shalt  }
0x48: {  	_ =	shalt  }
0x49: {  	_ =	shalt  }
0x4a: {  	_ =	shalt  }
0x4b: {  	_ =	shalt  }
0x4c: {  	_ =	shalt  }
0x4d: {  	_ =	shalt  }
0x4e: {  	_ =	shalt  }
0x4f: {  	_ =	shalt  }
0x50: {  	_ =	shalt  }
0x51: {  	_ =	shalt  }
0x52: {  	_ =	shalt  }
0x53: {  	_ =	shalt  }
0x54: {  	_ =	shalt  }
0x55: {  	_ =	shalt  }
0x56: {  	_ =	shalt  }
0x57: {  	_ =	shalt  }
0x58: {  	_ =	shalt  }
0x59: {  	_ =	shalt  }
0x5a: {  	_ =	shalt  }
0x5b: {  	_ =	shalt  }
0x5c: {  	_ =	shalt  }
0x5d: {  	_ =	shalt  }
0x5e: {  	_ =	shalt  }
0x5f: {  	_ =	shalt  }
0x60: {  	_ =	shalt  }
0x61: {  	_ =	shalt  }
0x62: {  	_ =	shalt  }
0x63: {  	_ =	shalt  }
0x64: {  	_ =	shalt  }
0x65: {  	_ =	shalt  }
0x66: {  	_ =	shalt  }
0x67: {  	_ =	shalt  }
0x68: {  	_ =	shalt  }
0x69: {  	_ =	shalt  }
0x6a: {  	_ =	shalt  }
0x6b: {  	_ =	shalt  }
0x6c: {  	_ =	shalt  }
0x6d: {  	_ =	shalt  }
0x6e: {  	_ =	shalt  }
0x6f: {  	_ =	shalt  }
0x70: {  	_ =	shalt  }
0x71: {  	_ =	shalt  }
0x72: {  	_ =	shalt  }
0x73: {  	_ =	shalt  }
0x74: {  	_ =	shalt  }
0x75: {  	_ =	shalt  }
0x76: {  	_ =	shalt  }
0x77: {  	_ =	shalt  }
0x78: {  	_ =	shalt  }
0x79: {  	_ =	shalt  }
0x7a: {  	_ =	shalt  }
0x7b: {  	_ =	shalt  }
0x7c: {  	_ =	shalt  }
0x7d: {  	_ =	shalt  }
0x7e: {  	_ =	shalt  }
0x7f: {  	_ =	shalt  }
0x80: {  	_ =	shalt  }
0x81: {  	_ =	shalt  }
0x82: {  	_ =	shalt  }
0x83: {  	_ =	shalt  }
0x84: {  	_ =	shalt  }
0x85: {  	_ =	shalt  }
0x86: {  	_ =	shalt  }
0x87: {  	_ =	shalt  }
.Lfunc_end0:
.L_simem_size_0:
called_computation_lowered:
.L_overlay_start_0:
0x88: {  	s2 =	sld [smem:$0x3FD9]  }
0x89: {  	s3 =	sld [smem:$0x3FFE];
	_ =	sdelay $0x1  }
0x8a: {  	s1 =	srdreg.scid  }
0x8b: {  	s0 =	sand.u32 $0x1, s1  }
0x8c: {  	s17 =	sshll.u32 s0, $0xA;
	s2 =	sadd.s32 s3, s2  }
0x8d: {  	s2 =	sadd.s32 s2, s17  }
0x8e: {  	[smem:$0x3FC0] =	sst s2  }
0x8f: {  	_ = 	snop  }
0x90: {  	s2 =	sld [smem:$0x3FD0];
	(tm) =	ssettm $0x1  }
0x91: {  	s18 =	sld [smem:$0x3FFB];
	_ =	sdelay $0x3  }
0x92: {  	_ =	strace s18  }
0x93: {  	s3 =	sld [smem:$0x3FFC];
	_ =	sdelay $0x3  }
0x94: {  	_ =	strace s3  }
0x95: {  	s3 =	sld [smem:$0x3FFD];
	_ =	sdelay $0x3  }
0x96: {  	_ =	strace s3  }
0x97: {  	_ =	strace $0x8FFFFFFF  }
0x98: {  	s19 =	sld [smem:$0x3FDB];
	_ =	sdelay $0x1  }
0x99: {  	s4 =	simm.s32 $_scs_section_size  }
0x9a: {  	s5 =	simm.s32 $_size__tile_overlayer_lowered;
	s6 =	simm.s32 $_tile_overlayer_lowered  }
0x9b: {  	s22 =	simm.s32 $0x1BFF;
	s21 =	sshll.u32 s6, $0x1;
	s3 =	sadd.s32 s4, s19  }
0x9c: {  	s7 =	simm.s32 $0x0;
	s20 =	sshll.u32 s5, $0x1;
	s5 =	sadd.s32 s21, s3  }
0x9d: {  	[timem:s7], [sflag:s22] =	dma.local [hbm:s5], s20  }
0x9e: {  	_ =	swait.ge [sflag:s22], s20  }
0x9f: {  	s4 =	ssub.s32 $0x0, s20;
	[sflag:s22] =	ssyncset.done $0x0  }
0xa0: {  	[sflag:s22] =	ssyncadd.s32 s4;
	_ =	sdelay $0x1  }
0xa1: {  	s23 =	simm.s32 $0x1B8B  }
0xa2: {  	_ =	swait.ge [sflag:s23], $0x1  }
0xa3: {  	[sflag:s23] =	ssyncset.done $0x0  }
0xa4: {  	s25 =	simm.s32 $0x1B8E;
	s24 =	sld [smem:$0x3FFE];
	[sflag:s23] =	ssyncadd.s32 $0xFFFFFFFF  }
0xa5: {  	s26 =	simm.s32 $execute0_lowered;
	[smem:$0x3FD2] =	sst s25  }
0xa6: {  	s5 =	sshll.u32 s26, $0x1;
	_ =	strace $0x80000046;
	[dreg:$0x1] =	wrdreg $0xFFFFFFFF  }
0xa7: {  	s28 =	simm.s32 $_size_execute0_lowered;
	s3 =	sadd.s32 s3, s5;
	[dreg:$0x0] =	wrdreg $0x0  }
0xa8: {  	s5 =	sshll.u32 s28, $0x1;
	[dreg:$0x2] =	wrdreg s3  }
0xa9: {  	[dreg:$0x3] =	wrdreg s5  }
0xaa: {  	[dreg:$0x4] =	wrdreg $0xC0  }
0xab: {  	_ =	task [dreg:s7], $0x5FFFF  }
0xac: {  	[dreg:$0x1] =	wrdreg $0xFFFFFFFF  }
0xad: {  	[dreg:$0x0] =	wrdreg $0x60  }
0xae: {  	[dreg:$0x2] =	wrdreg s2  }
0xaf: {  	[dreg:$0x3] =	wrdreg s24  }
0xb0: {  	[dreg:$0x4] =	wrdreg $0x9C400  }
0xb1: {  	[dreg:$0x5] =	wrdreg $0x0  }
0xb2: {  	[dreg:$0x6] =	wrdreg $0x9  }
0xb3: {  	_ =	task.clear_ibuf [dreg:s7], $0x7FFFF;
	_ =	strace $0x90000046  }
0xb4: {  	s29 =	simm.s32 $0x9;
	_ =	strace $0x80000048  }
0xb5: {  	_ =	swait.ge [sflag:s29], $0x1  }
0xb6: {  	[sflag:s29] =	ssyncadd.s32 $0xFFFFFFFF  }
0xb7: {  	_ =	strace $0x90000048  }
0xb8: {  	_ =	sfence  }
0xb9: {  	s30 =	sld [smem:$0x0];
	_ =	sdelay $0x2  }
0xba: {  	s31 =	sshll.u32 s1, $0xD;
	s1 =	sshrl.u32 s1, $0x2  }
0xbb: {  	s3 =	sand.u32 $0x4000, s31;
	s1 =	sadd.s32 s1, s30  }
0xbc: {  	s0 =	sor.u32 s3, s0;
	s1 =	sshll.u32 s1, $0x11  }
0xbd: {  	s0 =	sor.u32 s1, s0  }
0xbe: {  	s0 =	sadd.s32 $0x8F2B, s0  }
0xbf: {  	[sflag:s0] =	ssyncadd.remote.s32 $0x1  }
0xc0: {  	_ =	sfence.sel $0xFFFF  }
0xc1: {  	[dreg:$0x0] =	wrdreg $0xFFFFFFFF;
	(pc) =	sbr.abs _section_cstart, $3  }
0xc2: {  	[dreg:$0x1] =	wrdreg $0xFFFFFFFF  }
0xc3: {  	_ =	task.clear_ibuf [dreg:s7], $0x2FFFF;
	_ =	strace $0x9FFFFFFF  }
0xc4: {  	(tm) =	ssettm $0x7FFFFFFF  }
0xc5: {  	_ =	shalt  }
tec
execute0_lowered:
.L_overlay_start_1:
0x0: {  	(tag) =	ssettag $0x1  }
0x1: {  	s0 =	rddreg [dreg:$0x0]  }
0x2: {  	s1 =	rddreg [dreg:$0x1]  }
0x3: {  	s2 =	rddreg [dreg:$0x2];
	s4 =	srdreg.scid  }
0x4: {  	s15 =	stileid.u32;
	s3 =	rddreg [dreg:$0x3];
	s28 =	simm.s32 $0x15980  }
0x5: {  	s29 =	simm.s32 $0x1;
	s30 =	simm.s32 $0x17980;
	s31 =	simm.s32 $0x179A0  }
0x6: {  	s10 =	sand.u32 $0x1, s4;
	s12 =	smul.u32 $0x9C00, s15;
	s4 =	simm.s32 $0x0  }
0x7: {  	s5 =	sadd.s32 $0xAC00, s1;
	s8 =	smul.u32 $0x27000, s15;
	[smem:$0x7FF] =	sst s4  }
0x8: {  	s6 =	smul.u32 $0x9C400, s10;
	s9 =	ssub.s32 $0x2, s10;
	_ =	strace $0x80000047  }
0x9: {  	s11 =	sshrl.u32 s9, $0x1;
	s14 =	sshrl.u32 s8, $0x2;
	s8 =	smul.u32 $0x4E20, s15  }
0xa: {  	s7 =	sadd.s32 s12, s6;
	s6 =	sadd.s32 $0xE00, s1;
	s15 =	ssub.s32 s9, s11  }
0xb: {  	s9 =	sadd.s32 s12, s2;
	s14 =	sadd.s32 s14, s2;
	s11 =	smul.u32 $0x1388000, s10  }
0xc: {  	s12 =	sadd.s32 s12, s3;
	s13 =	sshrl.u32 s7, $0x3;
	s19 =	sadd.s32 $0x2000, s14  }
0xd: {  	s7 =	sadd.s32 $0x14A00, s1;
	s16 =	sadd.s32 $0x4000, s14;
	[dreg:$0x5] =	wrdreg s19  }
0xe: {  	s20 =	sadd.s32 $0x4E00, s8;
	s21 =	sadd.s32 $0x6000, s14;
	[dreg:$0x6] =	wrdreg s16  }
0xf: {  	s14 =	sadd.s32 $0x8000, s14;
	s1 =	sadd.s32 s13, s1;
	[dreg:$0x7] =	wrdreg s21  }
0x10: {  	s22 =	sshll.u32 s20, $0x6;
	[dreg:$0x8] =	wrdreg s14;
	s0 =	sadd.s32 s0, s13  }
0x11: {  	s24 =	sshrl.u32 s20, $0x3;
	s20 =	smax.u32 s15, $0x1;
	s21 =	simm.s32 $0x13980  }
0x12: {  	s23 =	sadd.s32 s11, s22;
	[dreg:$0x9] =	wrdreg s0;
	s26 =	sadd.s32 s5, s24  }
0x13: {  	s17 =	sadd.s32 s6, s24;
	s19 =	sadd.s32 $0x4F6A00, s1;
	s22 =	simm.s32 $0x2  }
0x14: {  	s24 =	simm.s32 $0x13880;
	s0 =	simm.s32 $0x20;
	s1 =	simm.s32 $0x181C0  }
0x15: {  	s25 =	sshrl.u32 s23, $0x3;
	[dreg:$0xa] =	wrdreg s26;
	s23 =	sshrl.u32 s12, $0x3  }
0x16: {  	v0 =	vimm.f32 $0.0e+00;
	s26 =	simm.s32 $0x80;
	s18 =	sadd.s32 s7, s25;
	s25 =	simm.s32 $0x13900  }
.LBB2_1:
0x17: {  	s12 =	simm.s32 $0x100;
	s10 =	simm.s32 $0x0  }
.LBB2_2:
0x18: {  	p0 =	sne.s32 s12, $0x7F00;
	[tilespmem:s10+$0x139B0] =	vst v0;
	s13 =	smov.u32 s12;
	s12 =	sadd.s32 $0x100, s12  }
.Ltmp0:
0x19: {  	[tilespmem:s10+$0x139A0] =	vst v0;
	(pc) =	sbr.rel @p0 .LBB2_2-.Ltmp0, $3  }
0x1a: {  	[tilespmem:s10+$0x13980] =	vst v0  }
0x1b: {  	[tilespmem:s10+$0x13990] =	vst v0;
	_ =	sdelay $0x1  }
0x1c: {  	s10 =	sshra.s32 s13, $0x2  }
0x1d: {  	[tilespmem:s10+$0x139B0] =	vst v0  }
0x1e: {  	[tilespmem:s10+$0x139A0] =	vst v0  }
0x1f: {  	[tilespmem:s10+$0x13980] =	vst v0  }
0x20: {  	[tilespmem:s10+$0x13990] =	vst v0  }
0x21: {  	[spmem:s9] =	stream.linear.scatter [tilespmem:s21], [sflag:$0x2], $0x2000, $0x38;
	[tilespmem:$0x189C0] =	vst v63  }
0x22: {  	_ =	swait.ge [sflag:s22], $0x2000  }
0x23: {  	[sflag:s22] =	ssyncset.done $0x0  }
0x24: {  	s12 =	rddreg [dreg:$0x5];
	[sflag:s22] =	ssyncadd.s32 $0xFFFFE000  }
0x25: {  	[spmem:s12] =	stream.linear.scatter [tilespmem:s21], [sflag:$0x2], $0x2000, $0x38;
	[tilespmem:$0x189C0] =	vst v63  }
0x26: {  	_ =	swait.ge [sflag:s22], $0x2000  }
0x27: {  	[sflag:s22] =	ssyncset.done $0x0  }
0x28: {  	s13 =	rddreg [dreg:$0x6];
	[sflag:s22] =	ssyncadd.s32 $0xFFFFE000  }
0x29: {  	[spmem:s13] =	stream.linear.scatter [tilespmem:s21], [sflag:$0x2], $0x2000, $0x38;
	[tilespmem:$0x189C0] =	vst v63  }
0x2a: {  	_ =	swait.ge [sflag:s22], $0x2000  }
0x2b: {  	[sflag:s22] =	ssyncset.done $0x0  }
0x2c: {  	s14 =	rddreg [dreg:$0x7];
	[sflag:s22] =	ssyncadd.s32 $0xFFFFE000  }
0x2d: {  	[spmem:s14] =	stream.linear.scatter [tilespmem:s21], [sflag:$0x2], $0x2000, $0x38;
	[tilespmem:$0x189C0] =	vst v63  }
0x2e: {  	_ =	swait.ge [sflag:s22], $0x2000  }
0x2f: {  	[sflag:s22] =	ssyncset.done $0x0  }
0x30: {  	s15 =	rddreg [dreg:$0x8];
	[sflag:s22] =	ssyncadd.s32 $0xFFFFE000  }
0x31: {  	[spmem:s15] =	stream.linear.scatter [tilespmem:s21], [sflag:$0x2], $0x2000, $0x38;
	[tilespmem:$0x189C0] =	vst v63  }
0x32: {  	s16 =	stileid.u32;
	_ =	swait.ge [sflag:s22], $0x2000  }
0x33: {  	s10 =	sshll.u32 s16, $0x6;
	[sflag:s22] =	ssyncset.done $0x0  }
0x34: {  	s10 =	sor.u32 $0x1C02, s10;
	s12 =	rddreg [dreg:$0x9];
	[sflag:s22] =	ssyncadd.s32 $0xFFFFE000  }
0x35: {  	[spmem:s23], [sflag:s10] =	dma.local [hbm:s12], $0x1400  }
0x36: {  	_ =	swait.ge [sflag:s22], $0x1400  }
0x37: {  	[sflag:s22] =	ssyncset.done $0x0  }
0x38: {  	[sflag:s22] =	ssyncadd.s32 $0xFFFFEC00  }
0x39: {  	s13 =	simm.s32 $0x0;
	s12 =	simm.s32 $0x0;
	[bflag:$0x0] =	sbarrier.arrive $0xFFFF  }
.LBB2_4:
0x3a: {  	s14 =	sshll.u32 s13, $0x7  }
0x3b: {  	s14 =	sadd.s32 s8, s14  }
0x3c: {  	s15 =	sshrl.u32 s14, $0x3  }
0x3d: {  	s16 =	sadd.s32 s5, s15  }
0x3e: {  	[tilespmem:s24], [sflag:$0x2] =	stream.linear.gather [hbm4b:s16+s12], $0x80, $0x38;
	[tilespmem:$0x189C0] =	vst v63  }
0x3f: {  	_ =	swait.ge [sflag:s22], $0x80  }
0x40: {  	[sflag:s22] =	ssyncset.done $0x0  }
0x41: {  	s14 =	sshll.u32 s14, $0x6;
	s15 =	sadd.s32 s6, s15;
	[sflag:s22] =	ssyncadd.s32 $0xFFFFFF80  }
0x42: {  	[tilespmem:s25], [sflag:$0x2] =	stream.linear.gather [hbm4b:s15+s12], $0x80, $0x38;
	[tilespmem:$0x189C0] =	vst v63  }
0x43: {  	s14 =	sadd.s32 s11, s14;
	_ =	swait.ge [sflag:s22], $0x80  }
0x44: {  	s14 =	sshrl.u32 s14, $0x3;
	[sflag:s22] =	ssyncset.done $0x0  }
0x45: {  	s14 =	sadd.s32 s7, s14;
	[sflag:s22] =	ssyncadd.s32 $0xFFFFFF80  }
0x46: {  	[tilespmem:s21], [sflag:$0x2] =	stream.linear.gather [hbm4b:s14+s12], $0x2000, $0x38;
	[tilespmem:$0x189C0] =	vst v63  }
0x47: {  	_ =	swait.ge [sflag:s22], $0x2000  }
0x48: {  	[sflag:s22] =	ssyncset.done $0x0  }
0x49: {  	[sflag:s22] =	ssyncadd.s32 $0xFFFFE000  }
0x4a: {  	[tilespmem:s28], [sflag:$0x1] =	stream.indirect.gather [spmem:s3], $0x40, s24, s26, $0xb8;
	[tilespmem:$0x189C0] =	vst v63  }
0x4b: {  	_ =	swait.ge [sflag:s29], $0x2000  }
0x4c: {  	[sflag:s29] =	ssyncset.done $0x0  }
0x4d: {  	s14 =	simm.s32 $0x0;
	[sflag:s29] =	ssyncadd.s32 $0xFFFFE000  }
0x4e: {  	v3 =	vld [tilespmem:s14+$0x13980]  }
0x4f: {  	v4 =	vld [tilespmem:s14+$0x13990]  }
0x50: {  	v2 =	vld [tilespmem:s14+$0x139A0]  }
0x51: {  	v1 =	vld [tilespmem:s14+$0x139B0]  }
0x52: {  	v5 =	vld [tilespmem:s14+$0x15980]  }
0x53: {  	v7 =	vld [tilespmem:s14+$0x15990]  }
0x54: {  	s15 =	simm.s32 $0x100;
	v6 =	vld [tilespmem:s14+$0x159A0]  }
.LBB2_5:
0x55: {  	p0 =	sne.s32 s15, $0x7F00;
	v8 =	vld [tilespmem:s14+$0x159B0]  }
0x56: {  	s16 =	sshra.s32 s15, $0x2  }
0x57: {  	v5 =	vadd.f32 v3, v5;
	v3 =	vld [tilespmem:s16+$0x13980]  }
0x58: {  	v7 =	vadd.f32 v4, v7;
	v4 =	vld [tilespmem:s16+$0x13990]  }
.Ltmp1:
0x59: {  	v5 =	vmax.f32 v5, $0.0e+00;
	v6 =	vadd.f32 v2, v6;
	v2 =	vld [tilespmem:s16+$0x139A0];
	(pc) =	sbr.rel @p0 .LBB2_5-.Ltmp1, $4  }
0x5a: {  	[tilespmem:s14+$0x15980] =	vst v5;
	v7 =	vmax.f32 v7, $0.0e+00;
	v8 =	vadd.f32 v1, v8;
	v1 =	vld [tilespmem:s16+$0x139B0]  }
0x5b: {  	v5 =	vld [tilespmem:s16+$0x15980];
	[tilespmem:s14+$0x15990] =	vst v7;
	v6 =	vmax.f32 v6, $0.0e+00  }
0x5c: {  	v7 =	vld [tilespmem:s16+$0x15990];
	[tilespmem:s14+$0x159A0] =	vst v6;
	v8 =	vmax.f32 v8, $0.0e+00  }
0x5d: {  	s15 =	sadd.s32 $0x100, s15;
	v6 =	vld [tilespmem:s16+$0x159A0];
	[tilespmem:s14+$0x159B0] =	vst v8;
	s14 =	smov.u32 s16  }
0x5e: {  	v8 =	vld [tilespmem:s14+$0x159B0];
	_ =	sdelay $0x1  }
0x5f: {  	v3 =	vadd.f32 v3, v5  }
0x60: {  	v4 =	vadd.f32 v4, v7  }
0x61: {  	v3 =	vmax.f32 v3, $0.0e+00;
	v2 =	vadd.f32 v2, v6  }
0x62: {  	[tilespmem:s14+$0x15980] =	vst v3;
	v3 =	vmax.f32 v4, $0.0e+00;
	v1 =	vadd.f32 v1, v8  }
0x63: {  	s13 =	sadd.s32 $0x1, s13;
	[tilespmem:s14+$0x15990] =	vst v3;
	v2 =	vmax.f32 v2, $0.0e+00  }
0x64: {  	p0 =	sne.s32 s13, $0x9C;
	[tilespmem:s14+$0x159A0] =	vst v2;
	v1 =	vmax.f32 v1, $0.0e+00  }
.Ltmp2:
0x65: {  	[tilespmem:s14+$0x159B0] =	vst v1;
	(pc) =	sbr.rel @p0 .LBB2_4-.Ltmp2, $4  }
0x66: {  	[spmem:s2] =	stream.indirect.scatter.add.f32 [tilespmem:s28], [sflag:$0x2], $0x40, s25, s26, $0xb8;
	[tilespmem:$0x189C0] =	vst v63  }
0x67: {  	_ =	swait.ge [sflag:s22], $0x2000  }
0x68: {  	[sflag:s22] =	ssyncset.done $0x0  }
0x69: {  	[sflag:s22] =	ssyncadd.s32 $0xFFFFE000  }
0x6a: {  	s12 =	simm.s32 $0x0;
	s13 =	rddreg [dreg:$0xa]  }
0x6b: {  	[tilespmem:s30], [sflag:$0x2] =	stream.linear.gather [hbm4b:s13+s12], $0x20, $0x38;
	[tilespmem:$0x189C0] =	vst v63  }
0x6c: {  	_ =	swait.ge [sflag:s22], $0x20  }
0x6d: {  	[sflag:s22] =	ssyncset.done $0x0  }
0x6e: {  	[sflag:s22] =	ssyncadd.s32 $0xFFFFFFE0  }
0x6f: {  	[tilespmem:s31], [sflag:$0x2] =	stream.linear.gather [hbm4b:s17+s12], $0x20, $0x38;
	[tilespmem:$0x189C0] =	vst v63  }
0x70: {  	_ =	swait.ge [sflag:s22], $0x20  }
0x71: {  	[sflag:s22] =	ssyncset.done $0x0  }
0x72: {  	s16 =	simm.s32 $0x179C0;
	[sflag:s22] =	ssyncadd.s32 $0xFFFFFFE0  }
0x73: {  	[tilespmem:s16], [sflag:$0x2] =	stream.linear.gather [hbm4b:s18+s12], $0x800, $0x38;
	[tilespmem:$0x189C0] =	vst v63  }
0x74: {  	_ =	swait.ge [sflag:s22], $0x800  }
0x75: {  	[sflag:s22] =	ssyncset.done $0x0  }
0x76: {  	[sflag:s22] =	ssyncadd.s32 $0xFFFFF800  }
0x77: {  	[tilespmem:s1], [sflag:$0x1] =	stream.indirect.gather [spmem:s3], $0x40, s30, s0, $0xb8;
	[tilespmem:$0x189C0] =	vst v63  }
0x78: {  	_ =	swait.ge [sflag:s29], $0x800  }
0x79: {  	[sflag:s29] =	ssyncset.done $0x0  }
0x7a: {  	s12 =	simm.s32 $0x0;
	[sflag:s29] =	ssyncadd.s32 $0xFFFFF800  }
0x7b: {  	v3 =	vld [tilespmem:s12+$0x179C0]  }
0x7c: {  	v4 =	vld [tilespmem:s12+$0x179D0]  }
0x7d: {  	v2 =	vld [tilespmem:s12+$0x179E0]  }
0x7e: {  	v1 =	vld [tilespmem:s12+$0x179F0]  }
0x7f: {  	v5 =	vld [tilespmem:s12+$0x181C0]  }
0x80: {  	v7 =	vld [tilespmem:s12+$0x181D0]  }
0x81: {  	s13 =	simm.s32 $0x100;
	v6 =	vld [tilespmem:s12+$0x181E0]  }
.LBB2_8:
0x82: {  	p0 =	sne.s32 s13, $0x1F00;
	v8 =	vld [tilespmem:s12+$0x181F0]  }
0x83: {  	s14 =	sshra.s32 s13, $0x2  }
0x84: {  	v5 =	vadd.f32 v3, v5;
	v3 =	vld [tilespmem:s14+$0x179C0]  }
0x85: {  	v7 =	vadd.f32 v4, v7;
	v4 =	vld [tilespmem:s14+$0x179D0]  }
.Ltmp3:
0x86: {  	v5 =	vmax.f32 v5, $0.0e+00;
	v6 =	vadd.f32 v2, v6;
	v2 =	vld [tilespmem:s14+$0x179E0];
	(pc) =	sbr.rel @p0 .LBB2_8-.Ltmp3, $4  }
0x87: {  	[tilespmem:s12+$0x181C0] =	vst v5;
	v7 =	vmax.f32 v7, $0.0e+00;
	v8 =	vadd.f32 v1, v8;
	v1 =	vld [tilespmem:s14+$0x179F0]  }
0x88: {  	v5 =	vld [tilespmem:s14+$0x181C0];
	[tilespmem:s12+$0x181D0] =	vst v7;
	v6 =	vmax.f32 v6, $0.0e+00  }
0x89: {  	v7 =	vld [tilespmem:s14+$0x181D0];
	[tilespmem:s12+$0x181E0] =	vst v6;
	v8 =	vmax.f32 v8, $0.0e+00  }
0x8a: {  	s13 =	sadd.s32 $0x100, s13;
	v6 =	vld [tilespmem:s14+$0x181E0];
	[tilespmem:s12+$0x181F0] =	vst v8;
	s12 =	smov.u32 s14  }
0x8b: {  	v8 =	vld [tilespmem:s12+$0x181F0];
	_ =	sdelay $0x1  }
0x8c: {  	v3 =	vadd.f32 v3, v5  }
0x8d: {  	v4 =	vadd.f32 v4, v7  }
0x8e: {  	v3 =	vmax.f32 v3, $0.0e+00;
	v2 =	vadd.f32 v2, v6  }
0x8f: {  	[tilespmem:s12+$0x181C0] =	vst v3;
	v3 =	vmax.f32 v4, $0.0e+00;
	v1 =	vadd.f32 v1, v8  }
0x90: {  	[tilespmem:s12+$0x181D0] =	vst v3;
	v2 =	vmax.f32 v2, $0.0e+00  }
0x91: {  	[tilespmem:s12+$0x181E0] =	vst v2;
	v1 =	vmax.f32 v1, $0.0e+00  }
0x92: {  	[tilespmem:s12+$0x181F0] =	vst v1  }
0x93: {  	[spmem:s2] =	stream.indirect.scatter.add.f32 [tilespmem:s1], [sflag:$0x2], $0x40, s31, s0, $0xb8;
	[tilespmem:$0x189C0] =	vst v63  }
0x94: {  	_ =	swait.ge [sflag:s22], $0x800  }
0x95: {  	s4 =	sadd.s32 $0x1, s4;
	[sflag:s22] =	ssyncset.done $0x0  }
0x96: {  	p0 =	sne.s32 s4, s20;
	[sflag:s22] =	ssyncadd.s32 $0xFFFFF800  }
.Ltmp4:
0x97: {  	s16 =	sshrl.u32 s9, $0x3;
	[bflag:$0x0] =	sbarrier.arrive $0xFFFF;
	(pc) =	sbr.rel @p0 .LBB2_1-.Ltmp4, $4  }
0x98: {  	[hbm:s19], [sflag:s10] =	dma.local [spmem:s16], $0x1400  }
0x99: {  	_ =	swait.ge [sflag:s22], $0x1400  }
0x9a: {  	[sflag:s22] =	ssyncset.done $0x0  }
0x9b: {  	[sflag:s22] =	ssyncadd.s32 $0xFFFFEC00  }
0x9c: {  	_ =	sfence.sel $0x180000  }
0x9d: {  	[bflag:$0x0] =	sbarrier.arrive $0xFFFF  }
0x9e: {  	_ =	strace $0x90000047  }
0x9f: {  	s0 =	stileid.u32;
	[bflag:$0x2] =	sbarrier.arrive $0xFFFF  }
0xa0: {  	p0 =	sne.s32 s0, $0x0;
	s0 =	rddreg [dreg:$0x4]  }
0xa1: {  	s0 =	sadd.s32 @!p0 $0x100000, s0  }
0xa2: {  	[sflag:s0] =	ssyncadd.tile.s32 @!p0 $0x1;
	_ =	shalt  }
.Lfunc_end2:
_tile_overlayer_lowered:
.L_overlay_start_2:
0xa3: {  	(tag) =	ssettag $0x2  }
0xa4: {  	s0 =	rddreg [dreg:$0x0];
	s2 =	stileid.u32  }
0xa5: {  	s1 =	rddreg [dreg:$0x1];
	p0 =	sne.s32 s2, $0x0  }
0xa6: {  	s3 =	rddreg [dreg:$0x2];
	[bflag:$0x3] =	sbarrier.arrive $0xFFFF;
	s2 =	simm.s32 @!p0 $0x1C02  }
0xa7: {  	[timem:s3], [sflag:s2] =	dma.local @!p0 [hbm:s0], s1  }
0xa8: {  	s0 =	simm.s32 @!p0 $0x2  }
0xa9: {  	_ =	swait.ge @!p0 [sflag:s0], s1  }
0xaa: {  	s1 =	ssub.s32 @!p0 $0x0, s1;
	[sflag:s0] =	ssyncset.done @!p0 $0x0  }
0xab: {  	[sflag:s0] =	ssyncadd.s32 @!p0 s1  }
0xac: {  	[bflag:$0x3] =	sbarrier.arrive $0xFFFF  }
0xad: {  	_ =	shalt  }

</sc_bundles>
